<compile_context>
chip_gen: v7x
topology: tpu7x:2x2x1
jax: 0.10.2.dev20260603
libtpu: 0.0.44.dev20260713+nightly
codegen_flags: <defaults>
</compile_context>

<pallas_src>
import functools

import jax
import jax.numpy as jnp
import numpy as np
from jax import lax
from jax.experimental import pallas as pl
from jax.experimental.pallas import tpu as pltpu
from jax.experimental.pallas import tpu_sc as plsc

POOL = 20
TOPK = 5
NTOK = 197
DIM = 768
NLAYERS = 12
COLS = NTOK + 2 * POOL
KPAD = 128
STRIPE = 2 * POOL
TILE_WORDS = NTOK * COLS
TILE_PAD = 46704
NSTRIPE = NTOK * STRIPE
NSTRIPE_PAD = 7888
NCHUNK = NSTRIPE_PAD // 16


def _tc_body(x_ref, kp_ref, stripe_ref, dacc_ref):
    b = pl.program_id(0)

    xb = x_ref[0]
    xn = xb / jnp.maximum(jnp.sqrt(jnp.sum(xb * xb, axis=1, keepdims=True)), 1e-12)
    kp = kp_ref[...]
    kn = kp / jnp.maximum(jnp.sqrt(jnp.sum(kp * kp, axis=1, keepdims=True)), 1e-12)
    sim = lax.dot_general(
        xn, kn, (((1,), (1,)), ((), ())), preferred_element_type=jnp.float32
    )

    r = lax.broadcasted_iota(jnp.int32, (NTOK, KPAD), 0)
    c = lax.broadcasted_iota(jnp.int32, (NTOK, KPAD), 1)
    valid = ((r == 0) & (c < POOL)) | ((r != 0) & (c >= POOL) & (c < 2 * POOL))
    simv = jnp.where(valid, sim, -2.0)

    ind = jnp.zeros((NTOK, KPAD), jnp.float32)
    ssum = jnp.zeros((NTOK, 1), jnp.float32)
    for _ in range(TOPK):
        m = jnp.max(simv, axis=1, keepdims=True)
        first = jnp.min(jnp.where(simv == m, c, KPAD), axis=1, keepdims=True)
        onehot = c == first
        ind = jnp.where(onehot, 1.0, ind)
        ssum = ssum + m
        simv = jnp.where(onehot, -3.0, simv)

    stripe_ref[0] = ind[:, :STRIPE]

    rr = lax.broadcasted_iota(jnp.int32, (NTOK, 1), 0)
    cls_sum = jnp.sum(jnp.where(rr == 0, ssum, 0.0))
    img_sum = jnp.sum(jnp.where(rr == 0, 0.0, ssum))
    ar = lax.broadcasted_iota(jnp.int32, (8, 128), 0)
    ac = lax.broadcasted_iota(jnp.int32, (8, 128), 1)
    part = jnp.where((ar == 0) & (ac == 0), cls_sum, 0.0) + jnp.where(
        (ar == 0) & (ac == 1), img_sum, 0.0
    )

    @pl.when(b == 0)
    def _():
        dacc_ref[...] = jnp.zeros((8, 128), jnp.float32)

    dacc_ref[...] += part


def _tc_select(x, kp):
    B = x.shape[0]
    return pl.pallas_call(
        _tc_body,
        grid=(B,),
        in_specs=[
            pl.BlockSpec((1, NTOK, DIM), lambda b: (b, 0, 0)),
            pl.BlockSpec((KPAD, DIM), lambda b: (0, 0)),
        ],
        out_specs=[
            pl.BlockSpec((1, NTOK, STRIPE), lambda b: (b, 0, 0)),
            pl.BlockSpec((8, 128), lambda b: (0, 0)),
        ],
        out_shape=[
            jax.ShapeDtypeStruct((B, NTOK, STRIPE), jnp.float32),
            jax.ShapeDtypeStruct((8, 128), jnp.float32),
        ],
    )(x, kp)


def _make_sc_fill(B):
    info = plsc.get_sparse_core_info()
    NC, NS = info.num_cores, info.num_subcores
    NW = NC * NS
    BPW = B // NW
    mesh = plsc.VectorSubcoreMesh(core_axis_name="c", subcore_axis_name="s")

    @functools.partial(
        pl.kernel,
        mesh=mesh,
        compiler_params=pltpu.CompilerParams(
            use_tc_tiling_on_sc=False, needs_layout_passes=False
        ),
        out_type=jax.ShapeDtypeStruct((B, NLAYERS, NTOK, COLS), jnp.float32),
        scratch_types=[
            pltpu.VMEM((NTOK, COLS), jnp.float32),
            pltpu.VMEM((NSTRIPE_PAD,), jnp.float32),
            pltpu.VMEM((NSTRIPE_PAD,), jnp.int32),
            pltpu.VMEM((NSTRIPE_PAD,), jnp.int32),
            pltpu.SemaphoreType.DMA,
        ],
    )
    def sc_fill(
        stripes_hbm,
        ones_hbm,
        ri_hbm,
        ci_hbm,
        out_hbm,
        tile_v,
        stripe_v,
        ri_v,
        ci_v,
        sem,
    ):
        wid = lax.axis_index("s") * NC + lax.axis_index("c")
        pltpu.sync_copy(ones_hbm, tile_v)
        pltpu.sync_copy(ri_hbm, ri_v)
        pltpu.sync_copy(ci_hbm, ci_v)
        lane = lax.broadcasted_iota(jnp.int32, (16,), 0)
        for bb in range(BPW):
            b = wid * BPW + bb
            pltpu.sync_copy(stripes_hbm.at[b], stripe_v.at[pl.ds(0, NSTRIPE)])

            def _chunk(k, carry):
                rk = ri_v[pl.ds(k * 16, 16)]
                ck = ci_v[pl.ds(k * 16, 16)]
                v = stripe_v[pl.ds(k * 16, 16)]
                plsc.store_scatter(tile_v, [rk, ck], v)
                return carry

            lax.fori_loop(0, NCHUNK - 1, _chunk, 0)
            k0 = (NCHUNK - 1) * 16
            rk = ri_v[pl.ds(k0, 16)]
            ck = ci_v[pl.ds(k0, 16)]
            v = stripe_v[pl.ds(k0, 16)]
            plsc.store_scatter(
                tile_v, [rk, ck], v, mask=lane < (NSTRIPE - k0)
            )
            copies = [
                pltpu.async_copy(tile_v, out_hbm.at[b, l], sem)
                for l in range(NLAYERS)
            ]
            for cp in copies:
                cp.wait()

    return sc_fill


def kernel(x, keys_cls, keys_image, layer):
    B = x.shape[0]
    kc = jnp.take(keys_cls, layer, axis=0)
    ki = jnp.take(keys_image, layer, axis=0)
    kp = (
        jnp.zeros((KPAD, DIM), jnp.float32)
        .at[:POOL]
        .set(kc)
        .at[POOL : 2 * POOL]
        .set(ki)
    )

    stripes, dacc = _tc_select(x, kp)
    stripes_flat = stripes.reshape(B, NSTRIPE)

    j = np.arange(NSTRIPE_PAD)
    rj = np.minimum(j // STRIPE, NTOK - 1)
    cj = 1 + (j % STRIPE)
    ri = jnp.asarray(rj, jnp.int32)
    ci = jnp.asarray(cj, jnp.int32)
    ones = jnp.ones((NTOK, COLS), jnp.float32)

    mask = _make_sc_fill(B)(stripes_flat, ones, ri, ci)

    dist = (1.0 - dacc[0, 0] / (B * TOPK)) + (
        1.0 - dacc[0, 1] / (B * (NTOK - 1) * TOPK)
    )
    return (mask, dist)

# --- scband reference (transcript-rebuilt; emitter-appended) ---
"""Pipeline reference for scband-pool-tcpa-46935402610869 (READ-ONLY COPY).

The authoritative reference and input builder live on the scoring server;
editing this copy changes nothing except your own understanding.
"""

import jax, jax.numpy as jnp
import numpy as np

POOL_SIZE = 20
TOPK = 5
NUM_LAYERS = 12
DIM = 768
LEN_PROMPTS = 1
P_LEN_CLS = POOL_SIZE * LEN_PROMPTS
P_LEN_IMAGE = POOL_SIZE * LEN_PROMPTS
P_LEN = P_LEN_CLS + P_LEN_IMAGE
N_TOK = 197


def _normalize(v):
    return v / jnp.maximum(jnp.linalg.norm(v, axis=-1, keepdims=True), 1e-12)


def _pool(x, keys, topk):
    xn = _normalize(x)
    kn = _normalize(keys)
    sim = jnp.matmul(xn, kn.T)
    _, idx = jax.lax.top_k(sim, topk)
    sim_topk = jnp.take_along_axis(sim, idx, axis=1)
    dist = jnp.mean(1.0 - sim_topk)
    return dist, idx


def setup_inputs(seed: int = 0) -> dict:
    key = jax.random.key(seed)
    k1, k2, k3 = jax.random.split(key, 3)
    x = jax.random.normal(k1, (64, N_TOK, DIM), dtype=jnp.float32)
    keys_cls = jax.random.uniform(k2, (NUM_LAYERS, POOL_SIZE, DIM), minval=-1.0, maxval=1.0, dtype=jnp.float32)
    keys_image = jax.random.uniform(k3, (NUM_LAYERS, POOL_SIZE, DIM), minval=-1.0, maxval=1.0, dtype=jnp.float32)
    return {"x": x, "keys_cls": keys_cls, "keys_image": keys_image, "layer": 3}


def reference(x, keys_cls, keys_image, layer):
    B = x.shape[0]
    cols = N_TOK + P_LEN
    mask_cls = jnp.ones((cols,), jnp.float32).at[1 + P_LEN_CLS:1 + P_LEN].set(0.0)[None, :]
    mask_image = jnp.ones((cols,), jnp.float32).at[1:1 + P_LEN_CLS].set(0.0)
    mask_image = jnp.tile(mask_image[None, :], (196, 1))
    mask = jnp.concatenate([mask_cls, mask_image], axis=0)
    mask = jnp.tile(mask[None, :, :], (NUM_LAYERS, 1, 1))
    mask = jnp.tile(mask[None, :, :, :], (B, 1, 1, 1))

    cls_token = x[:, 0, :]
    dist_cls, idx_cls = _pool(cls_token, keys_cls[layer], TOPK)
    tmp = jnp.zeros((B, POOL_SIZE), jnp.float32).at[jnp.arange(B)[:, None], idx_cls].set(1.0)
    tmp = jnp.repeat(tmp, LEN_PROMPTS, axis=1)
    tmp = jnp.tile(tmp[None, :, :], (NUM_LAYERS, 1, 1)).transpose(1, 0, 2)
    mask = mask.at[:, :, 0, 1:1 + P_LEN_CLS].set(tmp)

    image_token = x[:, 1:, :].reshape(-1, DIM)
    dist_image, idx_image = _pool(image_token, keys_image[layer], TOPK)
    tmp2 = jnp.zeros((B * 196, POOL_SIZE), jnp.float32).at[jnp.arange(B * 196)[:, None], idx_image].set(1.0)
    tmp2 = tmp2.reshape(B, 196, POOL_SIZE)
    tmp2 = jnp.repeat(tmp2, LEN_PROMPTS, axis=2)
    tmp2 = jnp.tile(tmp2[None, :, :, :], (NUM_LAYERS, 1, 1, 1)).transpose(1, 0, 2, 3)
    mask = mask.at[:, :, 1:, 1 + P_LEN_CLS:1 + P_LEN].set(tmp2)

    return (mask, dist_cls + dist_image)

if __name__ == "__main__":
    import jax
    _d = setup_inputs()
    print(jax.jit(kernel)(*tuple(_d.values())))

</pallas_src>

<mosaic_0001>
#map = affine_map<(d0, d1) -> (0, 0)>
#map1 = affine_map<(d0, d1) -> (0)>
#map2 = affine_map<(d0, d1) -> (0, 0, 0, 0)>
module attributes {stable_mosaic.version = 14 : i64} {
  func.func @sc_fill(%arg0: i32, %arg1: i32, %arg2: memref<64x7880xf32, #tpu.memory_space<hbm>>, %arg3: memref<197x237xf32, #tpu.memory_space<hbm>>, %arg4: memref<7888xi32, #tpu.memory_space<hbm>>, %arg5: memref<7888xi32, #tpu.memory_space<hbm>>, %arg6: memref<64x12x197x237xf32, #tpu.memory_space<hbm>>, %arg7: memref<197x237xf32, #tpu.memory_space<vmem>>, %arg8: memref<7888xf32, #tpu.memory_space<vmem>>, %arg9: memref<7888xi32, #tpu.memory_space<vmem>>, %arg10: memref<7888xi32, #tpu.memory_space<vmem>>, %arg11: memref<!tpu.dma_semaphore, #tpu.memory_space<semaphore_mem>>) attributes {dimension_semantics = [#tpu.dimension_semantics<core_parallel>, #tpu.dimension_semantics<subcore_parallel>], iteration_bounds = array<i64: 2, 16>, scalar_prefetch = 0 : i64, scratch_operands = 5 : i64, tpu.core_type = #tpu.core_type<sc_vector_subcore>, window_params = [{transform_indices = #map}, {transform_indices = #map}, {transform_indices = #map1}, {transform_indices = #map1}, {transform_indices = #map2}]} {
    %mul3A = arith.constant 2 : i32
    %mul3A_0 = arith.muli %arg1, %mul3A : i32
    %add3A = arith.addi %mul3A_0, %arg0 : i32
    "tpu.region"() ({
      %run_scoped3A = tpu.sem_alloc : memref<!tpu.dma_semaphore, #tpu.memory_space<semaphore_mem>>
      tpu.enqueue_dma source(%arg3 : memref<197x237xf32, #tpu.memory_space<hbm>>) target(%arg7 : memref<197x237xf32, #tpu.memory_space<vmem>>) target_semaphore(%run_scoped3A : memref<!tpu.dma_semaphore, #tpu.memory_space<semaphore_mem>>)
      tpu.wait_dma2 semaphore(%run_scoped3A : memref<!tpu.dma_semaphore, #tpu.memory_space<semaphore_mem>>) src(%arg3 : memref<197x237xf32, #tpu.memory_space<hbm>>) dst(%arg7 : memref<197x237xf32, #tpu.memory_space<vmem>>)
      tpu.yield
    }) : () -> ()
    "tpu.region"() ({
      %run_scoped3A = tpu.sem_alloc : memref<!tpu.dma_semaphore, #tpu.memory_space<semaphore_mem>>
      tpu.enqueue_dma source(%arg4 : memref<7888xi32, #tpu.memory_space<hbm>>) target(%arg9 : memref<7888xi32, #tpu.memory_space<vmem>>) target_semaphore(%run_scoped3A : memref<!tpu.dma_semaphore, #tpu.memory_space<semaphore_mem>>)
      tpu.wait_dma2 semaphore(%run_scoped3A : memref<!tpu.dma_semaphore, #tpu.memory_space<semaphore_mem>>) src(%arg4 : memref<7888xi32, #tpu.memory_space<hbm>>) dst(%arg9 : memref<7888xi32, #tpu.memory_space<vmem>>)
      tpu.yield
    }) : () -> ()
    "tpu.region"() ({
      %run_scoped3A = tpu.sem_alloc : memref<!tpu.dma_semaphore, #tpu.memory_space<semaphore_mem>>
      tpu.enqueue_dma source(%arg5 : memref<7888xi32, #tpu.memory_space<hbm>>) target(%arg10 : memref<7888xi32, #tpu.memory_space<vmem>>) target_semaphore(%run_scoped3A : memref<!tpu.dma_semaphore, #tpu.memory_space<semaphore_mem>>)
      tpu.wait_dma2 semaphore(%run_scoped3A : memref<!tpu.dma_semaphore, #tpu.memory_space<semaphore_mem>>) src(%arg5 : memref<7888xi32, #tpu.memory_space<hbm>>) dst(%arg10 : memref<7888xi32, #tpu.memory_space<vmem>>)
      tpu.yield
    }) : () -> ()
    %iota3A = tpu.iota {dimensions = array<i32: 0>} : vector<16xi32>
    %mul3A_1 = arith.constant 2 : i32
    %mul3A_2 = arith.muli %add3A, %mul3A_1 : i32
    %add3A_3 = arith.constant 0 : i32
    %add3A_4 = arith.addi %mul3A_2, %add3A_3 : i32
    "tpu.region"() ({
      %run_scoped3A = tpu.sem_alloc : memref<!tpu.dma_semaphore, #tpu.memory_space<semaphore_mem>>
      %dma_start3A_466 = arith.constant 0 : i32
      %dma_start3A_467 = tpu.memref_slice %arg8[%dma_start3A_466] : memref<7888xf32, #tpu.memory_space<vmem>> -> memref<7880xf32, #tpu.memory_space<vmem>>
      %dma_start3A_468 = arith.constant 0 : i32
      %dma_start3A_469 = tpu.memref_slice %arg2[%add3A_4, %dma_start3A_468] : memref<64x7880xf32, #tpu.memory_space<hbm>> -> memref<1x7880xf32, #tpu.memory_space<hbm>>
      %dma_start3A_470 = tpu.memref_squeeze %dma_start3A_469 : memref<1x7880xf32, #tpu.memory_space<hbm>> -> memref<7880xf32, #tpu.memory_space<hbm>>
      %dma_start3A_471 = arith.constant 0 : i32
      %dma_start3A_472 = tpu.memref_slice %arg8[%dma_start3A_471] : memref<7888xf32, #tpu.memory_space<vmem>> -> memref<7880xf32, #tpu.memory_space<vmem>>
      %dma_start3A_473 = arith.constant 0 : i32
      %dma_start3A_474 = tpu.memref_slice %arg2[%add3A_4, %dma_start3A_473] : memref<64x7880xf32, #tpu.memory_space<hbm>> -> memref<1x7880xf32, #tpu.memory_space<hbm>>
      %dma_start3A_475 = tpu.memref_squeeze %dma_start3A_474 : memref<1x7880xf32, #tpu.memory_space<hbm>> -> memref<7880xf32, #tpu.memory_space<hbm>>
      tpu.enqueue_dma source(%dma_start3A_475 : memref<7880xf32, #tpu.memory_space<hbm>>) target(%dma_start3A_472 : memref<7880xf32, #tpu.memory_space<vmem>>) target_semaphore(%run_scoped3A : memref<!tpu.dma_semaphore, #tpu.memory_space<semaphore_mem>>)
      %dma_wait3A_476 = arith.constant 0 : i32
      %dma_wait3A_477 = tpu.memref_slice %arg8[%dma_wait3A_476] : memref<7888xf32, #tpu.memory_space<vmem>> -> memref<7880xf32, #tpu.memory_space<vmem>>
      %dma_wait3A_478 = arith.constant 0 : i32
      %dma_wait3A_479 = tpu.memref_slice %arg2[%add3A_4, %dma_wait3A_478] : memref<64x7880xf32, #tpu.memory_space<hbm>> -> memref<1x7880xf32, #tpu.memory_space<hbm>>
      %dma_wait3A_480 = tpu.memref_squeeze %dma_wait3A_479 : memref<1x7880xf32, #tpu.memory_space<hbm>> -> memref<7880xf32, #tpu.memory_space<hbm>>
      %dma_wait3A_481 = arith.constant 0 : i32
      %dma_wait3A_482 = tpu.memref_slice %arg8[%dma_wait3A_481] : memref<7888xf32, #tpu.memory_space<vmem>> -> memref<7880xf32, #tpu.memory_space<vmem>>
      %dma_wait3A_483 = arith.constant 0 : i32
      %dma_wait3A_484 = tpu.memref_slice %arg2[%add3A_4, %dma_wait3A_483] : memref<64x7880xf32, #tpu.memory_space<hbm>> -> memref<1x7880xf32, #tpu.memory_space<hbm>>
      %dma_wait3A_485 = tpu.memref_squeeze %dma_wait3A_484 : memref<1x7880xf32, #tpu.memory_space<hbm>> -> memref<7880xf32, #tpu.memory_space<hbm>>
      tpu.wait_dma2 semaphore(%run_scoped3A : memref<!tpu.dma_semaphore, #tpu.memory_space<semaphore_mem>>) src(%dma_wait3A_485 : memref<7880xf32, #tpu.memory_space<hbm>>) dst(%dma_wait3A_482 : memref<7880xf32, #tpu.memory_space<vmem>>)
      tpu.yield
    }) : () -> ()
    %scan3A = arith.constant 0 : i32
    %scan3A_5 = arith.constant 0 : i32
    %scan3A_6 = arith.constant 492 : i32
    %scan3A_7 = arith.addi %scan3A_5, %scan3A_6 : i32
    %scan3A_8 = arith.constant 1 : i32
    scf.for %scan3A_466 = %scan3A_5 to %scan3A_7 step %scan3A_8  : i32 {
      %mul3A_467 = arith.constant 16 : i32
      %mul3A_468 = arith.muli %scan3A_466, %mul3A_467 : i32
      %get3A_469 = arith.index_cast %mul3A_468 : i32 to index
      %get3A_470 = tpu.vector_load %arg9[%get3A_469] {strides = array<i32>} : memref<7888xi32, #tpu.memory_space<vmem>>, vector<16xi32>,
      %mul3A_471 = arith.constant 16 : i32
      %mul3A_472 = arith.muli %scan3A_466, %mul3A_471 : i32
      %get3A_473 = arith.index_cast %mul3A_472 : i32 to index
      %get3A_474 = tpu.vector_load %arg10[%get3A_473] {strides = array<i32>} : memref<7888xi32, #tpu.memory_space<vmem>>, vector<16xi32>,
      %mul3A_475 = arith.constant 16 : i32
      %mul3A_476 = arith.muli %scan3A_466, %mul3A_475 : i32
      %get3A_477 = arith.index_cast %mul3A_476 : i32 to index
      %get3A_478 = tpu.vector_load %arg8[%get3A_477] {strides = array<i32>} : memref<7888xf32, #tpu.memory_space<vmem>>, vector<16xf32>,
      tpu.vector_store_idx %arg7[%get3A_470, %get3A_474], %get3A_478 : memref<197x237xf32, #tpu.memory_space<vmem>>[vector<16xi32>, vector<16xi32>], vector<16xf32>,
    }
    %scan3A_9 = arith.constant 492 : i32
    %get3A = arith.constant 7872 : index
    %get3A_10 = tpu.vector_load %arg9[%get3A] {strides = array<i32>} : memref<7888xi32, #tpu.memory_space<vmem>>, vector<16xi32>,
    %get3A_11 = arith.constant 7872 : index
    %get3A_12 = tpu.vector_load %arg10[%get3A_11] {strides = array<i32>} : memref<7888xi32, #tpu.memory_space<vmem>>, vector<16xi32>,
    %get3A_13 = arith.constant 7872 : index
    %get3A_14 = tpu.vector_load %arg8[%get3A_13] {strides = array<i32>} : memref<7888xf32, #tpu.memory_space<vmem>>, vector<16xf32>,
    %lt3A = arith.constant 8 : i32
    %lt3A_15 = vector.broadcast %lt3A : i32 to vector<16xi32>
    %lt3A_16 = arith.cmpi slt, %iota3A, %lt3A_15 : vector<16xi32>
    tpu.vector_store_idx %arg7[%get3A_10, %get3A_12], %get3A_14 masked %lt3A_16 : memref<197x237xf32, #tpu.memory_space<vmem>>[vector<16xi32>, vector<16xi32>], vector<16xf32>, vector<16xi1>
    %dma_start3A = arith.constant 0 : i32
    %dma_start3A_17 = arith.constant 0 : i32
    %dma_start3A_18 = arith.constant 0 : i32
    %dma_start3A_19 = tpu.memref_slice %arg6[%add3A_4, %dma_start3A, %dma_start3A_17, %dma_start3A_18] : memref<64x12x197x237xf32, #tpu.memory_space<hbm>> -> memref<1x1x197x237xf32, #tpu.memory_space<hbm>>
    %dma_start3A_20 = tpu.memref_squeeze %dma_start3A_19 : memref<1x1x197x237xf32, #tpu.memory_space<hbm>> -> memref<197x237xf32, #tpu.memory_space<hbm>>
    %dma_start3A_21 = arith.constant 0 : i32
    %dma_start3A_22 = arith.constant 0 : i32
    %dma_start3A_23 = tpu.memref_slice %arg6[%add3A_4, %dma_start3A, %dma_start3A_21, %dma_start3A_22] : memref<64x12x197x237xf32, #tpu.memory_space<hbm>> -> memref<1x1x197x237xf32, #tpu.memory_space<hbm>>
    %dma_start3A_24 = tpu.memref_squeeze %dma_start3A_23 : memref<1x1x197x237xf32, #tpu.memory_space<hbm>> -> memref<197x237xf32, #tpu.memory_space<hbm>>
    tpu.enqueue_dma source(%arg7 : memref<197x237xf32, #tpu.memory_space<vmem>>) target(%dma_start3A_24 : memref<197x237xf32, #tpu.memory_space<hbm>>) target_semaphore(%arg11 : memref<!tpu.dma_semaphore, #tpu.memory_space<semaphore_mem>>)
    %dma_start3A_25 = arith.constant 1 : i32
    %dma_start3A_26 = arith.constant 0 : i32
    %dma_start3A_27 = arith.constant 0 : i32
    %dma_start3A_28 = tpu.memref_slice %arg6[%add3A_4, %dma_start3A_25, %dma_start3A_26, %dma_start3A_27] : memref<64x12x197x237xf32, #tpu.memory_space<hbm>> -> memref<1x1x197x237xf32, #tpu.memory_space<hbm>>
    %dma_start3A_29 = tpu.memref_squeeze %dma_start3A_28 : memref<1x1x197x237xf32, #tpu.memory_space<hbm>> -> memref<197x237xf32, #tpu.memory_space<hbm>>
    %dma_start3A_30 = arith.constant 0 : i32
    %dma_start3A_31 = arith.constant 0 : i32
    %dma_start3A_32 = tpu.memref_slice %arg6[%add3A_4, %dma_start3A_25, %dma_start3A_30, %dma_start3A_31] : memref<64x12x197x237xf32, #tpu.memory_space<hbm>> -> memref<1x1x197x237xf32, #tpu.memory_space<hbm>>
    %dma_start3A_33 = tpu.memref_squeeze %dma_start3A_32 : memref<1x1x197x237xf32, #tpu.memory_space<hbm>> -> memref<197x237xf32, #tpu.memory_space<hbm>>
    tpu.enqueue_dma source(%arg7 : memref<197x237xf32, #tpu.memory_space<vmem>>) target(%dma_start3A_33 : memref<197x237xf32, #tpu.memory_space<hbm>>) target_semaphore(%arg11 : memref<!tpu.dma_semaphore, #tpu.memory_space<semaphore_mem>>)
    %dma_start3A_34 = arith.constant 2 : i32
    %dma_start3A_35 = arith.constant 0 : i32
    %dma_start3A_36 = arith.constant 0 : i32
    %dma_start3A_37 = tpu.memref_slice %arg6[%add3A_4, %dma_start3A_34, %dma_start3A_35, %dma_start3A_36] : memref<64x12x197x237xf32, #tpu.memory_space<hbm>> -> memref<1x1x197x237xf32, #tpu.memory_space<hbm>>
    %dma_start3A_38 = tpu.memref_squeeze %dma_start3A_37 : memref<1x1x197x237xf32, #tpu.memory_space<hbm>> -> memref<197x237xf32, #tpu.memory_space<hbm>>
    %dma_start3A_39 = arith.constant 0 : i32
    %dma_start3A_40 = arith.constant 0 : i32
    %dma_start3A_41 = tpu.memref_slice %arg6[%add3A_4, %dma_start3A_34, %dma_start3A_39, %dma_start3A_40] : memref<64x12x197x237xf32, #tpu.memory_space<hbm>> -> memref<1x1x197x237xf32, #tpu.memory_space<hbm>>
    %dma_start3A_42 = tpu.memref_squeeze %dma_start3A_41 : memref<1x1x197x237xf32, #tpu.memory_space<hbm>> -> memref<197x237xf32, #tpu.memory_space<hbm>>
    tpu.enqueue_dma source(%arg7 : memref<197x237xf32, #tpu.memory_space<vmem>>) target(%dma_start3A_42 : memref<197x237xf32, #tpu.memory_space<hbm>>) target_semaphore(%arg11 : memref<!tpu.dma_semaphore, #tpu.memory_space<semaphore_mem>>)
    %dma_start3A_43 = arith.constant 3 : i32
    %dma_start3A_44 = arith.constant 0 : i32
    %dma_start3A_45 = arith.constant 0 : i32
    %dma_start3A_46 = tpu.memref_slice %arg6[%add3A_4, %dma_start3A_43, %dma_start3A_44, %dma_start3A_45] : memref<64x12x197x237xf32, #tpu.memory_space<hbm>> -> memref<1x1x197x237xf32, #tpu.memory_space<hbm>>
    %dma_start3A_47 = tpu.memref_squeeze %dma_start3A_46 : memref<1x1x197x237xf32, #tpu.memory_space<hbm>> -> memref<197x237xf32, #tpu.memory_space<hbm>>
    %dma_start3A_48 = arith.constant 0 : i32
    %dma_start3A_49 = arith.constant 0 : i32
    %dma_start3A_50 = tpu.memref_slice %arg6[%add3A_4, %dma_start3A_43, %dma_start3A_48, %dma_start3A_49] : memref<64x12x197x237xf32, #tpu.memory_space<hbm>> -> memref<1x1x197x237xf32, #tpu.memory_space<hbm>>
    %dma_start3A_51 = tpu.memref_squeeze %dma_start3A_50 : memref<1x1x197x237xf32, #tpu.memory_space<hbm>> -> memref<197x237xf32, #tpu.memory_space<hbm>>
    tpu.enqueue_dma source(%arg7 : memref<197x237xf32, #tpu.memory_space<vmem>>) target(%dma_start3A_51 : memref<197x237xf32, #tpu.memory_space<hbm>>) target_semaphore(%arg11 : memref<!tpu.dma_semaphore, #tpu.memory_space<semaphore_mem>>)
    %dma_start3A_52 = arith.constant 4 : i32
    %dma_start3A_53 = arith.constant 0 : i32
    %dma_start3A_54 = arith.constant 0 : i32
    %dma_start3A_55 = tpu.memref_slice %arg6[%add3A_4, %dma_start3A_52, %dma_start3A_53, %dma_start3A_54] : memref<64x12x197x237xf32, #tpu.memory_space<hbm>> -> memref<1x1x197x237xf32, #tpu.memory_space<hbm>>
    %dma_start3A_56 = tpu.memref_squeeze %dma_start3A_55 : memref<1x1x197x237xf32, #tpu.memory_space<hbm>> -> memref<197x237xf32, #tpu.memory_space<hbm>>
    %dma_start3A_57 = arith.constant 0 : i32
    %dma_start3A_58 = arith.constant 0 : i32
    %dma_start3A_59 = tpu.memref_slice %arg6[%add3A_4, %dma_start3A_52, %dma_start3A_57, %dma_start3A_58] : memref<64x12x197x237xf32, #tpu.memory_space<hbm>> -> memref<1x1x197x237xf32, #tpu.memory_space<hbm>>
    %dma_start3A_60 = tpu.memref_squeeze %dma_start3A_59 : memref<1x1x197x237xf32, #tpu.memory_space<hbm>> -> memref<197x237xf32, #tpu.memory_space<hbm>>
    tpu.enqueue_dma source(%arg7 : memref<197x237xf32, #tpu.memory_space<vmem>>) target(%dma_start3A_60 : memref<197x237xf32, #tpu.memory_space<hbm>>) target_semaphore(%arg11 : memref<!tpu.dma_semaphore, #tpu.memory_space<semaphore_mem>>)
    %dma_start3A_61 = arith.constant 5 : i32
    %dma_start3A_62 = arith.constant 0 : i32
    %dma_start3A_63 = arith.constant 0 : i32
    %dma_start3A_64 = tpu.memref_slice %arg6[%add3A_4, %dma_start3A_61, %dma_start3A_62, %dma_start3A_63] : memref<64x12x197x237xf32, #tpu.memory_space<hbm>> -> memref<1x1x197x237xf32, #tpu.memory_space<hbm>>
    %dma_start3A_65 = tpu.memref_squeeze %dma_start3A_64 : memref<1x1x197x237xf32, #tpu.memory_space<hbm>> -> memref<197x237xf32, #tpu.memory_space<hbm>>
    %dma_start3A_66 = arith.constant 0 : i32
    %dma_start3A_67 = arith.constant 0 : i32
    %dma_start3A_68 = tpu.memref_slice %arg6[%add3A_4, %dma_start3A_61, %dma_start3A_66, %dma_start3A_67] : memref<64x12x197x237xf32, #tpu.memory_space<hbm>> -> memref<1x1x197x237xf32, #tpu.memory_space<hbm>>
    %dma_start3A_69 = tpu.memref_squeeze %dma_start3A_68 : memref<1x1x197x237xf32, #tpu.memory_space<hbm>> -> memref<197x237xf32, #tpu.memory_space<hbm>>
    tpu.enqueue_dma source(%arg7 : memref<197x237xf32, #tpu.memory_space<vmem>>) target(%dma_start3A_69 : memref<197x237xf32, #tpu.memory_space<hbm>>) target_semaphore(%arg11 : memref<!tpu.dma_semaphore, #tpu.memory_space<semaphore_mem>>)
    %dma_start3A_70 = arith.constant 6 : i32
    %dma_start3A_71 = arith.constant 0 : i32
    %dma_start3A_72 = arith.constant 0 : i32
    %dma_start3A_73 = tpu.memref_slice %arg6[%add3A_4, %dma_start3A_70, %dma_start3A_71, %dma_start3A_72] : memref<64x12x197x237xf32, #tpu.memory_space<hbm>> -> memref<1x1x197x237xf32, #tpu.memory_space<hbm>>
    %dma_start3A_74 = tpu.memref_squeeze %dma_start3A_73 : memref<1x1x197x237xf32, #tpu.memory_space<hbm>> -> memref<197x237xf32, #tpu.memory_space<hbm>>
    %dma_start3A_75 = arith.constant 0 : i32
    %dma_start3A_76 = arith.constant 0 : i32
    %dma_start3A_77 = tpu.memref_slice %arg6[%add3A_4, %dma_start3A_70, %dma_start3A_75, %dma_start3A_76] : memref<64x12x197x237xf32, #tpu.memory_space<hbm>> -> memref<1x1x197x237xf32, #tpu.memory_space<hbm>>
    %dma_start3A_78 = tpu.memref_squeeze %dma_start3A_77 : memref<1x1x197x237xf32, #tpu.memory_space<hbm>> -> memref<197x237xf32, #tpu.memory_space<hbm>>
    tpu.enqueue_dma source(%arg7 : memref<197x237xf32, #tpu.memory_space<vmem>>) target(%dma_start3A_78 : memref<197x237xf32, #tpu.memory_space<hbm>>) target_semaphore(%arg11 : memref<!tpu.dma_semaphore, #tpu.memory_space<semaphore_mem>>)
    %dma_start3A_79 = arith.constant 7 : i32
    %dma_start3A_80 = arith.constant 0 : i32
    %dma_start3A_81 = arith.constant 0 : i32
    %dma_start3A_82 = tpu.memref_slice %arg6[%add3A_4, %dma_start3A_79, %dma_start3A_80, %dma_start3A_81] : memref<64x12x197x237xf32, #tpu.memory_space<hbm>> -> memref<1x1x197x237xf32, #tpu.memory_space<hbm>>
    %dma_start3A_83 = tpu.memref_squeeze %dma_start3A_82 : memref<1x1x197x237xf32, #tpu.memory_space<hbm>> -> memref<197x237xf32, #tpu.memory_space<hbm>>
    %dma_start3A_84 = arith.constant 0 : i32
    %dma_start3A_85 = arith.constant 0 : i32
    %dma_start3A_86 = tpu.memref_slice %arg6[%add3A_4, %dma_start3A_79, %dma_start3A_84, %dma_start3A_85] : memref<64x12x197x237xf32, #tpu.memory_space<hbm>> -> memref<1x1x197x237xf32, #tpu.memory_space<hbm>>
    %dma_start3A_87 = tpu.memref_squeeze %dma_start3A_86 : memref<1x1x197x237xf32, #tpu.memory_space<hbm>> -> memref<197x237xf32, #tpu.memory_space<hbm>>
    tpu.enqueue_dma source(%arg7 : memref<197x237xf32, #tpu.memory_space<vmem>>) target(%dma_start3A_87 : memref<197x237xf32, #tpu.memory_space<hbm>>) target_semaphore(%arg11 : memref<!tpu.dma_semaphore, #tpu.memory_space<semaphore_mem>>)
    %dma_start3A_88 = arith.constant 8 : i32
    %dma_start3A_89 = arith.constant 0 : i32
    %dma_start3A_90 = arith.constant 0 : i32
    %dma_start3A_91 = tpu.memref_slice %arg6[%add3A_4, %dma_start3A_88, %dma_start3A_89, %dma_start3A_90] : memref<64x12x197x237xf32, #tpu.memory_space<hbm>> -> memref<1x1x197x237xf32, #tpu.memory_space<hbm>>
    %dma_start3A_92 = tpu.memref_squeeze %dma_start3A_91 : memref<1x1x197x237xf32, #tpu.memory_space<hbm>> -> memref<197x237xf32, #tpu.memory_space<hbm>>
    %dma_start3A_93 = arith.constant 0 : i32
    %dma_start3A_94 = arith.constant 0 : i32
    %dma_start3A_95 = tpu.memref_slice %arg6[%add3A_4, %dma_start3A_88, %dma_start3A_93, %dma_start3A_94] : memref<64x12x197x237xf32, #tpu.memory_space<hbm>> -> memref<1x1x197x237xf32, #tpu.memory_space<hbm>>
    %dma_start3A_96 = tpu.memref_squeeze %dma_start3A_95 : memref<1x1x197x237xf32, #tpu.memory_space<hbm>> -> memref<197x237xf32, #tpu.memory_space<hbm>>
    tpu.enqueue_dma source(%arg7 : memref<197x237xf32, #tpu.memory_space<vmem>>) target(%dma_start3A_96 : memref<197x237xf32, #tpu.memory_space<hbm>>) target_semaphore(%arg11 : memref<!tpu.dma_semaphore, #tpu.memory_space<semaphore_mem>>)
    %dma_start3A_97 = arith.constant 9 : i32
    %dma_start3A_98 = arith.constant 0 : i32
    %dma_start3A_99 = arith.constant 0 : i32
    %dma_start3A_100 = tpu.memref_slice %arg6[%add3A_4, %dma_start3A_97, %dma_start3A_98, %dma_start3A_99] : memref<64x12x197x237xf32, #tpu.memory_space<hbm>> -> memref<1x1x197x237xf32, #tpu.memory_space<hbm>>
    %dma_start3A_101 = tpu.memref_squeeze %dma_start3A_100 : memref<1x1x197x237xf32, #tpu.memory_space<hbm>> -> memref<197x237xf32, #tpu.memory_space<hbm>>
    %dma_start3A_102 = arith.constant 0 : i32
    %dma_start3A_103 = arith.constant 0 : i32
    %dma_start3A_104 = tpu.memref_slice %arg6[%add3A_4, %dma_start3A_97, %dma_start3A_102, %dma_start3A_103] : memref<64x12x197x237xf32, #tpu.memory_space<hbm>> -> memref<1x1x197x237xf32, #tpu.memory_space<hbm>>
    %dma_start3A_105 = tpu.memref_squeeze %dma_start3A_104 : memref<1x1x197x237xf32, #tpu.memory_space<hbm>> -> memref<197x237xf32, #tpu.memory_space<hbm>>
    tpu.enqueue_dma source(%arg7 : memref<197x237xf32, #tpu.memory_space<vmem>>) target(%dma_start3A_105 : memref<197x237xf32, #tpu.memory_space<hbm>>) target_semaphore(%arg11 : memref<!tpu.dma_semaphore, #tpu.memory_space<semaphore_mem>>)
    %dma_start3A_106 = arith.constant 10 : i32
    %dma_start3A_107 = arith.constant 0 : i32
    %dma_start3A_108 = arith.constant 0 : i32
    %dma_start3A_109 = tpu.memref_slice %arg6[%add3A_4, %dma_start3A_106, %dma_start3A_107, %dma_start3A_108] : memref<64x12x197x237xf32, #tpu.memory_space<hbm>> -> memref<1x1x197x237xf32, #tpu.memory_space<hbm>>
    %dma_start3A_110 = tpu.memref_squeeze %dma_start3A_109 : memref<1x1x197x237xf32, #tpu.memory_space<hbm>> -> memref<197x237xf32, #tpu.memory_space<hbm>>
    %dma_start3A_111 = arith.constant 0 : i32
    %dma_start3A_112 = arith.constant 0 : i32
    %dma_start3A_113 = tpu.memref_slice %arg6[%add3A_4, %dma_start3A_106, %dma_start3A_111, %dma_start3A_112] : memref<64x12x197x237xf32, #tpu.memory_space<hbm>> -> memref<1x1x197x237xf32, #tpu.memory_space<hbm>>
    %dma_start3A_114 = tpu.memref_squeeze %dma_start3A_113 : memref<1x1x197x237xf32, #tpu.memory_space<hbm>> -> memref<197x237xf32, #tpu.memory_space<hbm>>
    tpu.enqueue_dma source(%arg7 : memref<197x237xf32, #tpu.memory_space<vmem>>) target(%dma_start3A_114 : memref<197x237xf32, #tpu.memory_space<hbm>>) target_semaphore(%arg11 : memref<!tpu.dma_semaphore, #tpu.memory_space<semaphore_mem>>)
    %dma_start3A_115 = arith.constant 11 : i32
    %dma_start3A_116 = arith.constant 0 : i32
    %dma_start3A_117 = arith.constant 0 : i32
    %dma_start3A_118 = tpu.memref_slice %arg6[%add3A_4, %dma_start3A_115, %dma_start3A_116, %dma_start3A_117] : memref<64x12x197x237xf32, #tpu.memory_space<hbm>> -> memref<1x1x197x237xf32, #tpu.memory_space<hbm>>
    %dma_start3A_119 = tpu.memref_squeeze %dma_start3A_118 : memref<1x1x197x237xf32, #tpu.memory_space<hbm>> -> memref<197x237xf32, #tpu.memory_space<hbm>>
    %dma_start3A_120 = arith.constant 0 : i32
    %dma_start3A_121 = arith.constant 0 : i32
    %dma_start3A_122 = tpu.memref_slice %arg6[%add3A_4, %dma_start3A_115, %dma_start3A_120, %dma_start3A_121] : memref<64x12x197x237xf32, #tpu.memory_space<hbm>> -> memref<1x1x197x237xf32, #tpu.memory_space<hbm>>
    %dma_start3A_123 = tpu.memref_squeeze %dma_start3A_122 : memref<1x1x197x237xf32, #tpu.memory_space<hbm>> -> memref<197x237xf32, #tpu.memory_space<hbm>>
    tpu.enqueue_dma source(%arg7 : memref<197x237xf32, #tpu.memory_space<vmem>>) target(%dma_start3A_123 : memref<197x237xf32, #tpu.memory_space<hbm>>) target_semaphore(%arg11 : memref<!tpu.dma_semaphore, #tpu.memory_space<semaphore_mem>>)
    %dma_wait3A = arith.constant 0 : i32
    %dma_wait3A_124 = arith.constant 0 : i32
    %dma_wait3A_125 = arith.constant 0 : i32
    %dma_wait3A_126 = tpu.memref_slice %arg6[%add3A_4, %dma_wait3A, %dma_wait3A_124, %dma_wait3A_125] : memref<64x12x197x237xf32, #tpu.memory_space<hbm>> -> memref<1x1x197x237xf32, #tpu.memory_space<hbm>>
    %dma_wait3A_127 = tpu.memref_squeeze %dma_wait3A_126 : memref<1x1x197x237xf32, #tpu.memory_space<hbm>> -> memref<197x237xf32, #tpu.memory_space<hbm>>
    %dma_wait3A_128 = arith.constant 0 : i32
    %dma_wait3A_129 = arith.constant 0 : i32
    %dma_wait3A_130 = tpu.memref_slice %arg6[%add3A_4, %dma_wait3A, %dma_wait3A_128, %dma_wait3A_129] : memref<64x12x197x237xf32, #tpu.memory_space<hbm>> -> memref<1x1x197x237xf32, #tpu.memory_space<hbm>>
    %dma_wait3A_131 = tpu.memref_squeeze %dma_wait3A_130 : memref<1x1x197x237xf32, #tpu.memory_space<hbm>> -> memref<197x237xf32, #tpu.memory_space<hbm>>
    tpu.wait_dma2 semaphore(%arg11 : memref<!tpu.dma_semaphore, #tpu.memory_space<semaphore_mem>>) src(%arg7 : memref<197x237xf32, #tpu.memory_space<vmem>>) dst(%dma_wait3A_131 : memref<197x237xf32, #tpu.memory_space<hbm>>)
    %dma_wait3A_132 = arith.constant 1 : i32
    %dma_wait3A_133 = arith.constant 0 : i32
    %dma_wait3A_134 = arith.constant 0 : i32
    %dma_wait3A_135 = tpu.memref_slice %arg6[%add3A_4, %dma_wait3A_132, %dma_wait3A_133, %dma_wait3A_134] : memref<64x12x197x237xf32, #tpu.memory_space<hbm>> -> memref<1x1x197x237xf32, #tpu.memory_space<hbm>>
    %dma_wait3A_136 = tpu.memref_squeeze %dma_wait3A_135 : memref<1x1x197x237xf32, #tpu.memory_space<hbm>> -> memref<197x237xf32, #tpu.memory_space<hbm>>
    %dma_wait3A_137 = arith.constant 0 : i32
    %dma_wait3A_138 = arith.constant 0 : i32
    %dma_wait3A_139 = tpu.memref_slice %arg6[%add3A_4, %dma_wait3A_132, %dma_wait3A_137, %dma_wait3A_138] : memref<64x12x197x237xf32, #tpu.memory_space<hbm>> -> memref<1x1x197x237xf32, #tpu.memory_space<hbm>>
    %dma_wait3A_140 = tpu.memref_squeeze %dma_wait3A_139 : memref<1x1x197x237xf32, #tpu.memory_space<hbm>> -> memref<197x237xf32, #tpu.memory_space<hbm>>
    tpu.wait_dma2 semaphore(%arg11 : memref<!tpu.dma_semaphore, #tpu.memory_space<semaphore_mem>>) src(%arg7 : memref<197x237xf32, #tpu.memory_space<vmem>>) dst(%dma_wait3A_140 : memref<197x237xf32, #tpu.memory_space<hbm>>)
    %dma_wait3A_141 = arith.constant 2 : i32
    %dma_wait3A_142 = arith.constant 0 : i32
    %dma_wait3A_143 = arith.constant 0 : i32
    %dma_wait3A_144 = tpu.memref_slice %arg6[%add3A_4, %dma_wait3A_141, %dma_wait3A_142, %dma_wait3A_143] : memref<64x12x197x237xf32, #tpu.memory_space<hbm>> -> memref<1x1x197x237xf32, #tpu.memory_space<hbm>>
    %dma_wait3A_145 = tpu.memref_squeeze %dma_wait3A_144 : memref<1x1x197x237xf32, #tpu.memory_space<hbm>> -> memref<197x237xf32, #tpu.memory_space<hbm>>
    %dma_wait3A_146 = arith.constant 0 : i32
    %dma_wait3A_147 = arith.constant 0 : i32
    %dma_wait3A_148 = tpu.memref_slice %arg6[%add3A_4, %dma_wait3A_141, %dma_wait3A_146, %dma_wait3A_147] : memref<64x12x197x237xf32, #tpu.memory_space<hbm>> -> memref<1x1x197x237xf32, #tpu.memory_space<hbm>>
    %dma_wait3A_149 = tpu.memref_squeeze %dma_wait3A_148 : memref<1x1x197x237xf32, #tpu.memory_space<hbm>> -> memref<197x237xf32, #tpu.memory_space<hbm>>
    tpu.wait_dma2 semaphore(%arg11 : memref<!tpu.dma_semaphore, #tpu.memory_space<semaphore_mem>>) src(%arg7 : memref<197x237xf32, #tpu.memory_space<vmem>>) dst(%dma_wait3A_149 : memref<197x237xf32, #tpu.memory_space<hbm>>)
    %dma_wait3A_150 = arith.constant 3 : i32
    %dma_wait3A_151 = arith.constant 0 : i32
    %dma_wait3A_152 = arith.constant 0 : i32
    %dma_wait3A_153 = tpu.memref_slice %arg6[%add3A_4, %dma_wait3A_150, %dma_wait3A_151, %dma_wait3A_152] : memref<64x12x197x237xf32, #tpu.memory_space<hbm>> -> memref<1x1x197x237xf32, #tpu.memory_space<hbm>>
    %dma_wait3A_154 = tpu.memref_squeeze %dma_wait3A_153 : memref<1x1x197x237xf32, #tpu.memory_space<hbm>> -> memref<197x237xf32, #tpu.memory_space<hbm>>
    %dma_wait3A_155 = arith.constant 0 : i32
    %dma_wait3A_156 = arith.constant 0 : i32
    %dma_wait3A_157 = tpu.memref_slice %arg6[%add3A_4, %dma_wait3A_150, %dma_wait3A_155, %dma_wait3A_156] : memref<64x12x197x237xf32, #tpu.memory_space<hbm>> -> memref<1x1x197x237xf32, #tpu.memory_space<hbm>>
    %dma_wait3A_158 = tpu.memref_squeeze %dma_wait3A_157 : memref<1x1x197x237xf32, #tpu.memory_space<hbm>> -> memref<197x237xf32, #tpu.memory_space<hbm>>
    tpu.wait_dma2 semaphore(%arg11 : memref<!tpu.dma_semaphore, #tpu.memory_space<semaphore_mem>>) src(%arg7 : memref<197x237xf32, #tpu.memory_space<vmem>>) dst(%dma_wait3A_158 : memref<197x237xf32, #tpu.memory_space<hbm>>)
    %dma_wait3A_159 = arith.constant 4 : i32
    %dma_wait3A_160 = arith.constant 0 : i32
    %dma_wait3A_161 = arith.constant 0 : i32
    %dma_wait3A_162 = tpu.memref_slice %arg6[%add3A_4, %dma_wait3A_159, %dma_wait3A_160, %dma_wait3A_161] : memref<64x12x197x237xf32, #tpu.memory_space<hbm>> -> memref<1x1x197x237xf32, #tpu.memory_space<hbm>>
    %dma_wait3A_163 = tpu.memref_squeeze %dma_wait3A_162 : memref<1x1x197x237xf32, #tpu.memory_space<hbm>> -> memref<197x237xf32, #tpu.memory_space<hbm>>
    %dma_wait3A_164 = arith.constant 0 : i32
    %dma_wait3A_165 = arith.constant 0 : i32
    %dma_wait3A_166 = tpu.memref_slice %arg6[%add3A_4, %dma_wait3A_159, %dma_wait3A_164, %dma_wait3A_165] : memref<64x12x197x237xf32, #tpu.memory_space<hbm>> -> memref<1x1x197x237xf32, #tpu.memory_space<hbm>>
    %dma_wait3A_167 = tpu.memref_squeeze %dma_wait3A_166 : memref<1x1x197x237xf32, #tpu.memory_space<hbm>> -> memref<197x237xf32, #tpu.memory_space<hbm>>
    tpu.wait_dma2 semaphore(%arg11 : memref<!tpu.dma_semaphore, #tpu.memory_space<semaphore_mem>>) src(%arg7 : memref<197x237xf32, #tpu.memory_space<vmem>>) dst(%dma_wait3A_167 : memref<197x237xf32, #tpu.memory_space<hbm>>)
    %dma_wait3A_168 = arith.constant 5 : i32
    %dma_wait3A_169 = arith.constant 0 : i32
    %dma_wait3A_170 = arith.constant 0 : i32
    %dma_wait3A_171 = tpu.memref_slice %arg6[%add3A_4, %dma_wait3A_168, %dma_wait3A_169, %dma_wait3A_170] : memref<64x12x197x237xf32, #tpu.memory_space<hbm>> -> memref<1x1x197x237xf32, #tpu.memory_space<hbm>>
    %dma_wait3A_172 = tpu.memref_squeeze %dma_wait3A_171 : memref<1x1x197x237xf32, #tpu.memory_space<hbm>> -> memref<197x237xf32, #tpu.memory_space<hbm>>
    %dma_wait3A_173 = arith.constant 0 : i32
    %dma_wait3A_174 = arith.constant 0 : i32
    %dma_wait3A_175 = tpu.memref_slice %arg6[%add3A_4, %dma_wait3A_168, %dma_wait3A_173, %dma_wait3A_174] : memref<64x12x197x237xf32, #tpu.memory_space<hbm>> -> memref<1x1x197x237xf32, #tpu.memory_space<hbm>>
    %dma_wait3A_176 = tpu.memref_squeeze %dma_wait3A_175 : memref<1x1x197x237xf32, #tpu.memory_space<hbm>> -> memref<197x237xf32, #tpu.memory_space<hbm>>
    tpu.wait_dma2 semaphore(%arg11 : memref<!tpu.dma_semaphore, #tpu.memory_space<semaphore_mem>>) src(%arg7 : memref<197x237xf32, #tpu.memory_space<vmem>>) dst(%dma_wait3A_176 : memref<197x237xf32, #tpu.memory_space<hbm>>)
    %dma_wait3A_177 = arith.constant 6 : i32
    %dma_wait3A_178 = arith.constant 0 : i32
    %dma_wait3A_179 = arith.constant 0 : i32
    %dma_wait3A_180 = tpu.memref_slice %arg6[%add3A_4, %dma_wait3A_177, %dma_wait3A_178, %dma_wait3A_179] : memref<64x12x197x237xf32, #tpu.memory_space<hbm>> -> memref<1x1x197x237xf32, #tpu.memory_space<hbm>>
    %dma_wait3A_181 = tpu.memref_squeeze %dma_wait3A_180 : memref<1x1x197x237xf32, #tpu.memory_space<hbm>> -> memref<197x237xf32, #tpu.memory_space<hbm>>
    %dma_wait3A_182 = arith.constant 0 : i32
    %dma_wait3A_183 = arith.constant 0 : i32
    %dma_wait3A_184 = tpu.memref_slice %arg6[%add3A_4, %dma_wait3A_177, %dma_wait3A_182, %dma_wait3A_183] : memref<64x12x197x237xf32, #tpu.memory_space<hbm>> -> memref<1x1x197x237xf32, #tpu.memory_space<hbm>>
    %dma_wait3A_185 = tpu.memref_squeeze %dma_wait3A_184 : memref<1x1x197x237xf32, #tpu.memory_space<hbm>> -> memref<197x237xf32, #tpu.memory_space<hbm>>
    tpu.wait_dma2 semaphore(%arg11 : memref<!tpu.dma_semaphore, #tpu.memory_space<semaphore_mem>>) src(%arg7 : memref<197x237xf32, #tpu.memory_space<vmem>>) dst(%dma_wait3A_185 : memref<197x237xf32, #tpu.memory_space<hbm>>)
    %dma_wait3A_186 = arith.constant 7 : i32
    %dma_wait3A_187 = arith.constant 0 : i32
    %dma_wait3A_188 = arith.constant 0 : i32
    %dma_wait3A_189 = tpu.memref_slice %arg6[%add3A_4, %dma_wait3A_186, %dma_wait3A_187, %dma_wait3A_188] : memref<64x12x197x237xf32, #tpu.memory_space<hbm>> -> memref<1x1x197x237xf32, #tpu.memory_space<hbm>>
    %dma_wait3A_190 = tpu.memref_squeeze %dma_wait3A_189 : memref<1x1x197x237xf32, #tpu.memory_space<hbm>> -> memref<197x237xf32, #tpu.memory_space<hbm>>
    %dma_wait3A_191 = arith.constant 0 : i32
    %dma_wait3A_192 = arith.constant 0 : i32
    %dma_wait3A_193 = tpu.memref_slice %arg6[%add3A_4, %dma_wait3A_186, %dma_wait3A_191, %dma_wait3A_192] : memref<64x12x197x237xf32, #tpu.memory_space<hbm>> -> memref<1x1x197x237xf32, #tpu.memory_space<hbm>>
    %dma_wait3A_194 = tpu.memref_squeeze %dma_wait3A_193 : memref<1x1x197x237xf32, #tpu.memory_space<hbm>> -> memref<197x237xf32, #tpu.memory_space<hbm>>
    tpu.wait_dma2 semaphore(%arg11 : memref<!tpu.dma_semaphore, #tpu.memory_space<semaphore_mem>>) src(%arg7 : memref<197x237xf32, #tpu.memory_space<vmem>>) dst(%dma_wait3A_194 : memref<197x237xf32, #tpu.memory_space<hbm>>)
    %dma_wait3A_195 = arith.constant 8 : i32
    %dma_wait3A_196 = arith.constant 0 : i32
    %dma_wait3A_197 = arith.constant 0 : i32
    %dma_wait3A_198 = tpu.memref_slice %arg6[%add3A_4, %dma_wait3A_195, %dma_wait3A_196, %dma_wait3A_197] : memref<64x12x197x237xf32, #tpu.memory_space<hbm>> -> memref<1x1x197x237xf32, #tpu.memory_space<hbm>>
    %dma_wait3A_199 = tpu.memref_squeeze %dma_wait3A_198 : memref<1x1x197x237xf32, #tpu.memory_space<hbm>> -> memref<197x237xf32, #tpu.memory_space<hbm>>
    %dma_wait3A_200 = arith.constant 0 : i32
    %dma_wait3A_201 = arith.constant 0 : i32
    %dma_wait3A_202 = tpu.memref_slice %arg6[%add3A_4, %dma_wait3A_195, %dma_wait3A_200, %dma_wait3A_201] : memref<64x12x197x237xf32, #tpu.memory_space<hbm>> -> memref<1x1x197x237xf32, #tpu.memory_space<hbm>>
    %dma_wait3A_203 = tpu.memref_squeeze %dma_wait3A_202 : memref<1x1x197x237xf32, #tpu.memory_space<hbm>> -> memref<197x237xf32, #tpu.memory_space<hbm>>
    tpu.wait_dma2 semaphore(%arg11 : memref<!tpu.dma_semaphore, #tpu.memory_space<semaphore_mem>>) src(%arg7 : memref<197x237xf32, #tpu.memory_space<vmem>>) dst(%dma_wait3A_203 : memref<197x237xf32, #tpu.memory_space<hbm>>)
    %dma_wait3A_204 = arith.constant 9 : i32
    %dma_wait3A_205 = arith.constant 0 : i32
    %dma_wait3A_206 = arith.constant 0 : i32
    %dma_wait3A_207 = tpu.memref_slice %arg6[%add3A_4, %dma_wait3A_204, %dma_wait3A_205, %dma_wait3A_206] : memref<64x12x197x237xf32, #tpu.memory_space<hbm>> -> memref<1x1x197x237xf32, #tpu.memory_space<hbm>>
    %dma_wait3A_208 = tpu.memref_squeeze %dma_wait3A_207 : memref<1x1x197x237xf32, #tpu.memory_space<hbm>> -> memref<197x237xf32, #tpu.memory_space<hbm>>
    %dma_wait3A_209 = arith.constant 0 : i32
    %dma_wait3A_210 = arith.constant 0 : i32
    %dma_wait3A_211 = tpu.memref_slice %arg6[%add3A_4, %dma_wait3A_204, %dma_wait3A_209, %dma_wait3A_210] : memref<64x12x197x237xf32, #tpu.memory_space<hbm>> -> memref<1x1x197x237xf32, #tpu.memory_space<hbm>>
    %dma_wait3A_212 = tpu.memref_squeeze %dma_wait3A_211 : memref<1x1x197x237xf32, #tpu.memory_space<hbm>> -> memref<197x237xf32, #tpu.memory_space<hbm>>
    tpu.wait_dma2 semaphore(%arg11 : memref<!tpu.dma_semaphore, #tpu.memory_space<semaphore_mem>>) src(%arg7 : memref<197x237xf32, #tpu.memory_space<vmem>>) dst(%dma_wait3A_212 : memref<197x237xf32, #tpu.memory_space<hbm>>)
    %dma_wait3A_213 = arith.constant 10 : i32
    %dma_wait3A_214 = arith.constant 0 : i32
    %dma_wait3A_215 = arith.constant 0 : i32
    %dma_wait3A_216 = tpu.memref_slice %arg6[%add3A_4, %dma_wait3A_213, %dma_wait3A_214, %dma_wait3A_215] : memref<64x12x197x237xf32, #tpu.memory_space<hbm>> -> memref<1x1x197x237xf32, #tpu.memory_space<hbm>>
    %dma_wait3A_217 = tpu.memref_squeeze %dma_wait3A_216 : memref<1x1x197x237xf32, #tpu.memory_space<hbm>> -> memref<197x237xf32, #tpu.memory_space<hbm>>
    %dma_wait3A_218 = arith.constant 0 : i32
    %dma_wait3A_219 = arith.constant 0 : i32
    %dma_wait3A_220 = tpu.memref_slice %arg6[%add3A_4, %dma_wait3A_213, %dma_wait3A_218, %dma_wait3A_219] : memref<64x12x197x237xf32, #tpu.memory_space<hbm>> -> memref<1x1x197x237xf32, #tpu.memory_space<hbm>>
    %dma_wait3A_221 = tpu.memref_squeeze %dma_wait3A_220 : memref<1x1x197x237xf32, #tpu.memory_space<hbm>> -> memref<197x237xf32, #tpu.memory_space<hbm>>
    tpu.wait_dma2 semaphore(%arg11 : memref<!tpu.dma_semaphore, #tpu.memory_space<semaphore_mem>>) src(%arg7 : memref<197x237xf32, #tpu.memory_space<vmem>>) dst(%dma_wait3A_221 : memref<197x237xf32, #tpu.memory_space<hbm>>)
    %dma_wait3A_222 = arith.constant 11 : i32
    %dma_wait3A_223 = arith.constant 0 : i32
    %dma_wait3A_224 = arith.constant 0 : i32
    %dma_wait3A_225 = tpu.memref_slice %arg6[%add3A_4, %dma_wait3A_222, %dma_wait3A_223, %dma_wait3A_224] : memref<64x12x197x237xf32, #tpu.memory_space<hbm>> -> memref<1x1x197x237xf32, #tpu.memory_space<hbm>>
    %dma_wait3A_226 = tpu.memref_squeeze %dma_wait3A_225 : memref<1x1x197x237xf32, #tpu.memory_space<hbm>> -> memref<197x237xf32, #tpu.memory_space<hbm>>
    %dma_wait3A_227 = arith.constant 0 : i32
    %dma_wait3A_228 = arith.constant 0 : i32
    %dma_wait3A_229 = tpu.memref_slice %arg6[%add3A_4, %dma_wait3A_222, %dma_wait3A_227, %dma_wait3A_228] : memref<64x12x197x237xf32, #tpu.memory_space<hbm>> -> memref<1x1x197x237xf32, #tpu.memory_space<hbm>>
    %dma_wait3A_230 = tpu.memref_squeeze %dma_wait3A_229 : memref<1x1x197x237xf32, #tpu.memory_space<hbm>> -> memref<197x237xf32, #tpu.memory_space<hbm>>
    tpu.wait_dma2 semaphore(%arg11 : memref<!tpu.dma_semaphore, #tpu.memory_space<semaphore_mem>>) src(%arg7 : memref<197x237xf32, #tpu.memory_space<vmem>>) dst(%dma_wait3A_230 : memref<197x237xf32, #tpu.memory_space<hbm>>)
    %mul3A_231 = arith.constant 2 : i32
    %mul3A_232 = arith.muli %add3A, %mul3A_231 : i32
    %add3A_233 = arith.constant 1 : i32
    %add3A_234 = arith.addi %mul3A_232, %add3A_233 : i32
    "tpu.region"() ({
      %run_scoped3A = tpu.sem_alloc : memref<!tpu.dma_semaphore, #tpu.memory_space<semaphore_mem>>
      %dma_start3A_466 = arith.constant 0 : i32
      %dma_start3A_467 = tpu.memref_slice %arg8[%dma_start3A_466] : memref<7888xf32, #tpu.memory_space<vmem>> -> memref<7880xf32, #tpu.memory_space<vmem>>
      %dma_start3A_468 = arith.constant 0 : i32
      %dma_start3A_469 = tpu.memref_slice %arg2[%add3A_234, %dma_start3A_468] : memref<64x7880xf32, #tpu.memory_space<hbm>> -> memref<1x7880xf32, #tpu.memory_space<hbm>>
      %dma_start3A_470 = tpu.memref_squeeze %dma_start3A_469 : memref<1x7880xf32, #tpu.memory_space<hbm>> -> memref<7880xf32, #tpu.memory_space<hbm>>
      %dma_start3A_471 = arith.constant 0 : i32
      %dma_start3A_472 = tpu.memref_slice %arg8[%dma_start3A_471] : memref<7888xf32, #tpu.memory_space<vmem>> -> memref<7880xf32, #tpu.memory_space<vmem>>
      %dma_start3A_473 = arith.constant 0 : i32
      %dma_start3A_474 = tpu.memref_slice %arg2[%add3A_234, %dma_start3A_473] : memref<64x7880xf32, #tpu.memory_space<hbm>> -> memref<1x7880xf32, #tpu.memory_space<hbm>>
      %dma_start3A_475 = tpu.memref_squeeze %dma_start3A_474 : memref<1x7880xf32, #tpu.memory_space<hbm>> -> memref<7880xf32, #tpu.memory_space<hbm>>
      tpu.enqueue_dma source(%dma_start3A_475 : memref<7880xf32, #tpu.memory_space<hbm>>) target(%dma_start3A_472 : memref<7880xf32, #tpu.memory_space<vmem>>) target_semaphore(%run_scoped3A : memref<!tpu.dma_semaphore, #tpu.memory_space<semaphore_mem>>)
      %dma_wait3A_476 = arith.constant 0 : i32
      %dma_wait3A_477 = tpu.memref_slice %arg8[%dma_wait3A_476] : memref<7888xf32, #tpu.memory_space<vmem>> -> memref<7880xf32, #tpu.memory_space<vmem>>
      %dma_wait3A_478 = arith.constant 0 : i32
      %dma_wait3A_479 = tpu.memref_slice %arg2[%add3A_234, %dma_wait3A_478] : memref<64x7880xf32, #tpu.memory_space<hbm>> -> memref<1x7880xf32, #tpu.memory_space<hbm>>
      %dma_wait3A_480 = tpu.memref_squeeze %dma_wait3A_479 : memref<1x7880xf32, #tpu.memory_space<hbm>> -> memref<7880xf32, #tpu.memory_space<hbm>>
      %dma_wait3A_481 = arith.constant 0 : i32
      %dma_wait3A_482 = tpu.memref_slice %arg8[%dma_wait3A_481] : memref<7888xf32, #tpu.memory_space<vmem>> -> memref<7880xf32, #tpu.memory_space<vmem>>
      %dma_wait3A_483 = arith.constant 0 : i32
      %dma_wait3A_484 = tpu.memref_slice %arg2[%add3A_234, %dma_wait3A_483] : memref<64x7880xf32, #tpu.memory_space<hbm>> -> memref<1x7880xf32, #tpu.memory_space<hbm>>
      %dma_wait3A_485 = tpu.memref_squeeze %dma_wait3A_484 : memref<1x7880xf32, #tpu.memory_space<hbm>> -> memref<7880xf32, #tpu.memory_space<hbm>>
      tpu.wait_dma2 semaphore(%run_scoped3A : memref<!tpu.dma_semaphore, #tpu.memory_space<semaphore_mem>>) src(%dma_wait3A_485 : memref<7880xf32, #tpu.memory_space<hbm>>) dst(%dma_wait3A_482 : memref<7880xf32, #tpu.memory_space<vmem>>)
      tpu.yield
    }) : () -> ()
    %scan3A_235 = arith.constant 0 : i32
    %scan3A_236 = arith.constant 0 : i32
    %scan3A_237 = arith.constant 492 : i32
    %scan3A_238 = arith.addi %scan3A_236, %scan3A_237 : i32
    %scan3A_239 = arith.constant 1 : i32
    scf.for %scan3A_466 = %scan3A_236 to %scan3A_238 step %scan3A_239  : i32 {
      %mul3A_467 = arith.constant 16 : i32
      %mul3A_468 = arith.muli %scan3A_466, %mul3A_467 : i32
      %get3A_469 = arith.index_cast %mul3A_468 : i32 to index
      %get3A_470 = tpu.vector_load %arg9[%get3A_469] {strides = array<i32>} : memref<7888xi32, #tpu.memory_space<vmem>>, vector<16xi32>,
      %mul3A_471 = arith.constant 16 : i32
      %mul3A_472 = arith.muli %scan3A_466, %mul3A_471 : i32
      %get3A_473 = arith.index_cast %mul3A_472 : i32 to index
      %get3A_474 = tpu.vector_load %arg10[%get3A_473] {strides = array<i32>} : memref<7888xi32, #tpu.memory_space<vmem>>, vector<16xi32>,
      %mul3A_475 = arith.constant 16 : i32
      %mul3A_476 = arith.muli %scan3A_466, %mul3A_475 : i32
      %get3A_477 = arith.index_cast %mul3A_476 : i32 to index
      %get3A_478 = tpu.vector_load %arg8[%get3A_477] {strides = array<i32>} : memref<7888xf32, #tpu.memory_space<vmem>>, vector<16xf32>,
      tpu.vector_store_idx %arg7[%get3A_470, %get3A_474], %get3A_478 : memref<197x237xf32, #tpu.memory_space<vmem>>[vector<16xi32>, vector<16xi32>], vector<16xf32>,
    }
    %scan3A_240 = arith.constant 492 : i32
    %get3A_241 = arith.constant 7872 : index
    %get3A_242 = tpu.vector_load %arg9[%get3A_241] {strides = array<i32>} : memref<7888xi32, #tpu.memory_space<vmem>>, vector<16xi32>,
    %get3A_243 = arith.constant 7872 : index
    %get3A_244 = tpu.vector_load %arg10[%get3A_243] {strides = array<i32>} : memref<7888xi32, #tpu.memory_space<vmem>>, vector<16xi32>,
    %get3A_245 = arith.constant 7872 : index
    %get3A_246 = tpu.vector_load %arg8[%get3A_245] {strides = array<i32>} : memref<7888xf32, #tpu.memory_space<vmem>>, vector<16xf32>,
    %lt3A_247 = arith.constant 8 : i32
    %lt3A_248 = vector.broadcast %lt3A_247 : i32 to vector<16xi32>
    %lt3A_249 = arith.cmpi slt, %iota3A, %lt3A_248 : vector<16xi32>
    tpu.vector_store_idx %arg7[%get3A_242, %get3A_244], %get3A_246 masked %lt3A_249 : memref<197x237xf32, #tpu.memory_space<vmem>>[vector<16xi32>, vector<16xi32>], vector<16xf32>, vector<16xi1>
    %dma_start3A_250 = arith.constant 0 : i32
    %dma_start3A_251 = arith.constant 0 : i32
    %dma_start3A_252 = arith.constant 0 : i32
    %dma_start3A_253 = tpu.memref_slice %arg6[%add3A_234, %dma_start3A_250, %dma_start3A_251, %dma_start3A_252] : memref<64x12x197x237xf32, #tpu.memory_space<hbm>> -> memref<1x1x197x237xf32, #tpu.memory_space<hbm>>
    %dma_start3A_254 = tpu.memref_squeeze %dma_start3A_253 : memref<1x1x197x237xf32, #tpu.memory_space<hbm>> -> memref<197x237xf32, #tpu.memory_space<hbm>>
    %dma_start3A_255 = arith.constant 0 : i32
    %dma_start3A_256 = arith.constant 0 : i32
    %dma_start3A_257 = tpu.memref_slice %arg6[%add3A_234, %dma_start3A_250, %dma_start3A_255, %dma_start3A_256] : memref<64x12x197x237xf32, #tpu.memory_space<hbm>> -> memref<1x1x197x237xf32, #tpu.memory_space<hbm>>
    %dma_start3A_258 = tpu.memref_squeeze %dma_start3A_257 : memref<1x1x197x237xf32, #tpu.memory_space<hbm>> -> memref<197x237xf32, #tpu.memory_space<hbm>>
    tpu.enqueue_dma source(%arg7 : memref<197x237xf32, #tpu.memory_space<vmem>>) target(%dma_start3A_258 : memref<197x237xf32, #tpu.memory_space<hbm>>) target_semaphore(%arg11 : memref<!tpu.dma_semaphore, #tpu.memory_space<semaphore_mem>>)
    %dma_start3A_259 = arith.constant 1 : i32
    %dma_start3A_260 = arith.constant 0 : i32
    %dma_start3A_261 = arith.constant 0 : i32
    %dma_start3A_262 = tpu.memref_slice %arg6[%add3A_234, %dma_start3A_259, %dma_start3A_260, %dma_start3A_261] : memref<64x12x197x237xf32, #tpu.memory_space<hbm>> -> memref<1x1x197x237xf32, #tpu.memory_space<hbm>>
    %dma_start3A_263 = tpu.memref_squeeze %dma_start3A_262 : memref<1x1x197x237xf32, #tpu.memory_space<hbm>> -> memref<197x237xf32, #tpu.memory_space<hbm>>
    %dma_start3A_264 = arith.constant 0 : i32
    %dma_start3A_265 = arith.constant 0 : i32
    %dma_start3A_266 = tpu.memref_slice %arg6[%add3A_234, %dma_start3A_259, %dma_start3A_264, %dma_start3A_265] : memref<64x12x197x237xf32, #tpu.memory_space<hbm>> -> memref<1x1x197x237xf32, #tpu.memory_space<hbm>>
    %dma_start3A_267 = tpu.memref_squeeze %dma_start3A_266 : memref<1x1x197x237xf32, #tpu.memory_space<hbm>> -> memref<197x237xf32, #tpu.memory_space<hbm>>
    tpu.enqueue_dma source(%arg7 : memref<197x237xf32, #tpu.memory_space<vmem>>) target(%dma_start3A_267 : memref<197x237xf32, #tpu.memory_space<hbm>>) target_semaphore(%arg11 : memref<!tpu.dma_semaphore, #tpu.memory_space<semaphore_mem>>)
    %dma_start3A_268 = arith.constant 2 : i32
    %dma_start3A_269 = arith.constant 0 : i32
    %dma_start3A_270 = arith.constant 0 : i32
    %dma_start3A_271 = tpu.memref_slice %arg6[%add3A_234, %dma_start3A_268, %dma_start3A_269, %dma_start3A_270] : memref<64x12x197x237xf32, #tpu.memory_space<hbm>> -> memref<1x1x197x237xf32, #tpu.memory_space<hbm>>
    %dma_start3A_272 = tpu.memref_squeeze %dma_start3A_271 : memref<1x1x197x237xf32, #tpu.memory_space<hbm>> -> memref<197x237xf32, #tpu.memory_space<hbm>>
    %dma_start3A_273 = arith.constant 0 : i32
    %dma_start3A_274 = arith.constant 0 : i32
    %dma_start3A_275 = tpu.memref_slice %arg6[%add3A_234, %dma_start3A_268, %dma_start3A_273, %dma_start3A_274] : memref<64x12x197x237xf32, #tpu.memory_space<hbm>> -> memref<1x1x197x237xf32, #tpu.memory_space<hbm>>
    %dma_start3A_276 = tpu.memref_squeeze %dma_start3A_275 : memref<1x1x197x237xf32, #tpu.memory_space<hbm>> -> memref<197x237xf32, #tpu.memory_space<hbm>>
    tpu.enqueue_dma source(%arg7 : memref<197x237xf32, #tpu.memory_space<vmem>>) target(%dma_start3A_276 : memref<197x237xf32, #tpu.memory_space<hbm>>) target_semaphore(%arg11 : memref<!tpu.dma_semaphore, #tpu.memory_space<semaphore_mem>>)
    %dma_start3A_277 = arith.constant 3 : i32
    %dma_start3A_278 = arith.constant 0 : i32
    %dma_start3A_279 = arith.constant 0 : i32
    %dma_start3A_280 = tpu.memref_slice %arg6[%add3A_234, %dma_start3A_277, %dma_start3A_278, %dma_start3A_279] : memref<64x12x197x237xf32, #tpu.memory_space<hbm>> -> memref<1x1x197x237xf32, #tpu.memory_space<hbm>>
    %dma_start3A_281 = tpu.memref_squeeze %dma_start3A_280 : memref<1x1x197x237xf32, #tpu.memory_space<hbm>> -> memref<197x237xf32, #tpu.memory_space<hbm>>
    %dma_start3A_282 = arith.constant 0 : i32
    %dma_start3A_283 = arith.constant 0 : i32
    %dma_start3A_284 = tpu.memref_slice %arg6[%add3A_234, %dma_start3A_277, %dma_start3A_282, %dma_start3A_283] : memref<64x12x197x237xf32, #tpu.memory_space<hbm>> -> memref<1x1x197x237xf32, #tpu.memory_space<hbm>>
    %dma_start3A_285 = tpu.memref_squeeze %dma_start3A_284 : memref<1x1x197x237xf32, #tpu.memory_space<hbm>> -> memref<197x237xf32, #tpu.memory_space<hbm>>
    tpu.enqueue_dma source(%arg7 : memref<197x237xf32, #tpu.memory_space<vmem>>) target(%dma_start3A_285 : memref<197x237xf32, #tpu.memory_space<hbm>>) target_semaphore(%arg11 : memref<!tpu.dma_semaphore, #tpu.memory_space<semaphore_mem>>)
    %dma_start3A_286 = arith.constant 4 : i32
    %dma_start3A_287 = arith.constant 0 : i32
    %dma_start3A_288 = arith.constant 0 : i32
    %dma_start3A_289 = tpu.memref_slice %arg6[%add3A_234, %dma_start3A_286, %dma_start3A_287, %dma_start3A_288] : memref<64x12x197x237xf32, #tpu.memory_space<hbm>> -> memref<1x1x197x237xf32, #tpu.memory_space<hbm>>
    %dma_start3A_290 = tpu.memref_squeeze %dma_start3A_289 : memref<1x1x197x237xf32, #tpu.memory_space<hbm>> -> memref<197x237xf32, #tpu.memory_space<hbm>>
    %dma_start3A_291 = arith.constant 0 : i32
    %dma_start3A_292 = arith.constant 0 : i32
    %dma_start3A_293 = tpu.memref_slice %arg6[%add3A_234, %dma_start3A_286, %dma_start3A_291, %dma_start3A_292] : memref<64x12x197x237xf32, #tpu.memory_space<hbm>> -> memref<1x1x197x237xf32, #tpu.memory_space<hbm>>
    %dma_start3A_294 = tpu.memref_squeeze %dma_start3A_293 : memref<1x1x197x237xf32, #tpu.memory_space<hbm>> -> memref<197x237xf32, #tpu.memory_space<hbm>>
    tpu.enqueue_dma source(%arg7 : memref<197x237xf32, #tpu.memory_space<vmem>>) target(%dma_start3A_294 : memref<197x237xf32, #tpu.memory_space<hbm>>) target_semaphore(%arg11 : memref<!tpu.dma_semaphore, #tpu.memory_space<semaphore_mem>>)
    %dma_start3A_295 = arith.constant 5 : i32
    %dma_start3A_296 = arith.constant 0 : i32
    %dma_start3A_297 = arith.constant 0 : i32
    %dma_start3A_298 = tpu.memref_slice %arg6[%add3A_234, %dma_start3A_295, %dma_start3A_296, %dma_start3A_297] : memref<64x12x197x237xf32, #tpu.memory_space<hbm>> -> memref<1x1x197x237xf32, #tpu.memory_space<hbm>>
    %dma_start3A_299 = tpu.memref_squeeze %dma_start3A_298 : memref<1x1x197x237xf32, #tpu.memory_space<hbm>> -> memref<197x237xf32, #tpu.memory_space<hbm>>
    %dma_start3A_300 = arith.constant 0 : i32
    %dma_start3A_301 = arith.constant 0 : i32
    %dma_start3A_302 = tpu.memref_slice %arg6[%add3A_234, %dma_start3A_295, %dma_start3A_300, %dma_start3A_301] : memref<64x12x197x237xf32, #tpu.memory_space<hbm>> -> memref<1x1x197x237xf32, #tpu.memory_space<hbm>>
    %dma_start3A_303 = tpu.memref_squeeze %dma_start3A_302 : memref<1x1x197x237xf32, #tpu.memory_space<hbm>> -> memref<197x237xf32, #tpu.memory_space<hbm>>
    tpu.enqueue_dma source(%arg7 : memref<197x237xf32, #tpu.memory_space<vmem>>) target(%dma_start3A_303 : memref<197x237xf32, #tpu.memory_space<hbm>>) target_semaphore(%arg11 : memref<!tpu.dma_semaphore, #tpu.memory_space<semaphore_mem>>)
    %dma_start3A_304 = arith.constant 6 : i32
    %dma_start3A_305 = arith.constant 0 : i32
    %dma_start3A_306 = arith.constant 0 : i32
    %dma_start3A_307 = tpu.memref_slice %arg6[%add3A_234, %dma_start3A_304, %dma_start3A_305, %dma_start3A_306] : memref<64x12x197x237xf32, #tpu.memory_space<hbm>> -> memref<1x1x197x237xf32, #tpu.memory_space<hbm>>
    %dma_start3A_308 = tpu.memref_squeeze %dma_start3A_307 : memref<1x1x197x237xf32, #tpu.memory_space<hbm>> -> memref<197x237xf32, #tpu.memory_space<hbm>>
    %dma_start3A_309 = arith.constant 0 : i32
    %dma_start3A_310 = arith.constant 0 : i32
    %dma_start3A_311 = tpu.memref_slice %arg6[%add3A_234, %dma_start3A_304, %dma_start3A_309, %dma_start3A_310] : memref<64x12x197x237xf32, #tpu.memory_space<hbm>> -> memref<1x1x197x237xf32, #tpu.memory_space<hbm>>
    %dma_start3A_312 = tpu.memref_squeeze %dma_start3A_311 : memref<1x1x197x237xf32, #tpu.memory_space<hbm>> -> memref<197x237xf32, #tpu.memory_space<hbm>>
    tpu.enqueue_dma source(%arg7 : memref<197x237xf32, #tpu.memory_space<vmem>>) target(%dma_start3A_312 : memref<197x237xf32, #tpu.memory_space<hbm>>) target_semaphore(%arg11 : memref<!tpu.dma_semaphore, #tpu.memory_space<semaphore_mem>>)
    %dma_start3A_313 = arith.constant 7 : i32
    %dma_start3A_314 = arith.constant 0 : i32
    %dma_start3A_315 = arith.constant 0 : i32
    %dma_start3A_316 = tpu.memref_slice %arg6[%add3A_234, %dma_start3A_313, %dma_start3A_314, %dma_start3A_315] : memref<64x12x197x237xf32, #tpu.memory_space<hbm>> -> memref<1x1x197x237xf32, #tpu.memory_space<hbm>>
    %dma_start3A_317 = tpu.memref_squeeze %dma_start3A_316 : memref<1x1x197x237xf32, #tpu.memory_space<hbm>> -> memref<197x237xf32, #tpu.memory_space<hbm>>
    %dma_start3A_318 = arith.constant 0 : i32
    %dma_start3A_319 = arith.constant 0 : i32
    %dma_start3A_320 = tpu.memref_slice %arg6[%add3A_234, %dma_start3A_313, %dma_start3A_318, %dma_start3A_319] : memref<64x12x197x237xf32, #tpu.memory_space<hbm>> -> memref<1x1x197x237xf32, #tpu.memory_space<hbm>>
    %dma_start3A_321 = tpu.memref_squeeze %dma_start3A_320 : memref<1x1x197x237xf32, #tpu.memory_space<hbm>> -> memref<197x237xf32, #tpu.memory_space<hbm>>
    tpu.enqueue_dma source(%arg7 : memref<197x237xf32, #tpu.memory_space<vmem>>) target(%dma_start3A_321 : memref<197x237xf32, #tpu.memory_space<hbm>>) target_semaphore(%arg11 : memref<!tpu.dma_semaphore, #tpu.memory_space<semaphore_mem>>)
    %dma_start3A_322 = arith.constant 8 : i32
    %dma_start3A_323 = arith.constant 0 : i32
    %dma_start3A_324 = arith.constant 0 : i32
    %dma_start3A_325 = tpu.memref_slice %arg6[%add3A_234, %dma_start3A_322, %dma_start3A_323, %dma_start3A_324] : memref<64x12x197x237xf32, #tpu.memory_space<hbm>> -> memref<1x1x197x237xf32, #tpu.memory_space<hbm>>
    %dma_start3A_326 = tpu.memref_squeeze %dma_start3A_325 : memref<1x1x197x237xf32, #tpu.memory_space<hbm>> -> memref<197x237xf32, #tpu.memory_space<hbm>>
    %dma_start3A_327 = arith.constant 0 : i32
    %dma_start3A_328 = arith.constant 0 : i32
    %dma_start3A_329 = tpu.memref_slice %arg6[%add3A_234, %dma_start3A_322, %dma_start3A_327, %dma_start3A_328] : memref<64x12x197x237xf32, #tpu.memory_space<hbm>> -> memref<1x1x197x237xf32, #tpu.memory_space<hbm>>
    %dma_start3A_330 = tpu.memref_squeeze %dma_start3A_329 : memref<1x1x197x237xf32, #tpu.memory_space<hbm>> -> memref<197x237xf32, #tpu.memory_space<hbm>>
    tpu.enqueue_dma source(%arg7 : memref<197x237xf32, #tpu.memory_space<vmem>>) target(%dma_start3A_330 : memref<197x237xf32, #tpu.memory_space<hbm>>) target_semaphore(%arg11 : memref<!tpu.dma_semaphore, #tpu.memory_space<semaphore_mem>>)
    %dma_start3A_331 = arith.constant 9 : i32
    %dma_start3A_332 = arith.constant 0 : i32
    %dma_start3A_333 = arith.constant 0 : i32
    %dma_start3A_334 = tpu.memref_slice %arg6[%add3A_234, %dma_start3A_331, %dma_start3A_332, %dma_start3A_333] : memref<64x12x197x237xf32, #tpu.memory_space<hbm>> -> memref<1x1x197x237xf32, #tpu.memory_space<hbm>>
    %dma_start3A_335 = tpu.memref_squeeze %dma_start3A_334 : memref<1x1x197x237xf32, #tpu.memory_space<hbm>> -> memref<197x237xf32, #tpu.memory_space<hbm>>
    %dma_start3A_336 = arith.constant 0 : i32
    %dma_start3A_337 = arith.constant 0 : i32
    %dma_start3A_338 = tpu.memref_slice %arg6[%add3A_234, %dma_start3A_331, %dma_start3A_336, %dma_start3A_337] : memref<64x12x197x237xf32, #tpu.memory_space<hbm>> -> memref<1x1x197x237xf32, #tpu.memory_space<hbm>>
    %dma_start3A_339 = tpu.memref_squeeze %dma_start3A_338 : memref<1x1x197x237xf32, #tpu.memory_space<hbm>> -> memref<197x237xf32, #tpu.memory_space<hbm>>
    tpu.enqueue_dma source(%arg7 : memref<197x237xf32, #tpu.memory_space<vmem>>) target(%dma_start3A_339 : memref<197x237xf32, #tpu.memory_space<hbm>>) target_semaphore(%arg11 : memref<!tpu.dma_semaphore, #tpu.memory_space<semaphore_mem>>)
    %dma_start3A_340 = arith.constant 10 : i32
    %dma_start3A_341 = arith.constant 0 : i32
    %dma_start3A_342 = arith.constant 0 : i32
    %dma_start3A_343 = tpu.memref_slice %arg6[%add3A_234, %dma_start3A_340, %dma_start3A_341, %dma_start3A_342] : memref<64x12x197x237xf32, #tpu.memory_space<hbm>> -> memref<1x1x197x237xf32, #tpu.memory_space<hbm>>
    %dma_start3A_344 = tpu.memref_squeeze %dma_start3A_343 : memref<1x1x197x237xf32, #tpu.memory_space<hbm>> -> memref<197x237xf32, #tpu.memory_space<hbm>>
    %dma_start3A_345 = arith.constant 0 : i32
    %dma_start3A_346 = arith.constant 0 : i32
    %dma_start3A_347 = tpu.memref_slice %arg6[%add3A_234, %dma_start3A_340, %dma_start3A_345, %dma_start3A_346] : memref<64x12x197x237xf32, #tpu.memory_space<hbm>> -> memref<1x1x197x237xf32, #tpu.memory_space<hbm>>
    %dma_start3A_348 = tpu.memref_squeeze %dma_start3A_347 : memref<1x1x197x237xf32, #tpu.memory_space<hbm>> -> memref<197x237xf32, #tpu.memory_space<hbm>>
    tpu.enqueue_dma source(%arg7 : memref<197x237xf32, #tpu.memory_space<vmem>>) target(%dma_start3A_348 : memref<197x237xf32, #tpu.memory_space<hbm>>) target_semaphore(%arg11 : memref<!tpu.dma_semaphore, #tpu.memory_space<semaphore_mem>>)
    %dma_start3A_349 = arith.constant 11 : i32
    %dma_start3A_350 = arith.constant 0 : i32
    %dma_start3A_351 = arith.constant 0 : i32
    %dma_start3A_352 = tpu.memref_slice %arg6[%add3A_234, %dma_start3A_349, %dma_start3A_350, %dma_start3A_351] : memref<64x12x197x237xf32, #tpu.memory_space<hbm>> -> memref<1x1x197x237xf32, #tpu.memory_space<hbm>>
    %dma_start3A_353 = tpu.memref_squeeze %dma_start3A_352 : memref<1x1x197x237xf32, #tpu.memory_space<hbm>> -> memref<197x237xf32, #tpu.memory_space<hbm>>
    %dma_start3A_354 = arith.constant 0 : i32
    %dma_start3A_355 = arith.constant 0 : i32
    %dma_start3A_356 = tpu.memref_slice %arg6[%add3A_234, %dma_start3A_349, %dma_start3A_354, %dma_start3A_355] : memref<64x12x197x237xf32, #tpu.memory_space<hbm>> -> memref<1x1x197x237xf32, #tpu.memory_space<hbm>>
    %dma_start3A_357 = tpu.memref_squeeze %dma_start3A_356 : memref<1x1x197x237xf32, #tpu.memory_space<hbm>> -> memref<197x237xf32, #tpu.memory_space<hbm>>
    tpu.enqueue_dma source(%arg7 : memref<197x237xf32, #tpu.memory_space<vmem>>) target(%dma_start3A_357 : memref<197x237xf32, #tpu.memory_space<hbm>>) target_semaphore(%arg11 : memref<!tpu.dma_semaphore, #tpu.memory_space<semaphore_mem>>)
    %dma_wait3A_358 = arith.constant 0 : i32
    %dma_wait3A_359 = arith.constant 0 : i32
    %dma_wait3A_360 = arith.constant 0 : i32
    %dma_wait3A_361 = tpu.memref_slice %arg6[%add3A_234, %dma_wait3A_358, %dma_wait3A_359, %dma_wait3A_360] : memref<64x12x197x237xf32, #tpu.memory_space<hbm>> -> memref<1x1x197x237xf32, #tpu.memory_space<hbm>>
    %dma_wait3A_362 = tpu.memref_squeeze %dma_wait3A_361 : memref<1x1x197x237xf32, #tpu.memory_space<hbm>> -> memref<197x237xf32, #tpu.memory_space<hbm>>
    %dma_wait3A_363 = arith.constant 0 : i32
    %dma_wait3A_364 = arith.constant 0 : i32
    %dma_wait3A_365 = tpu.memref_slice %arg6[%add3A_234, %dma_wait3A_358, %dma_wait3A_363, %dma_wait3A_364] : memref<64x12x197x237xf32, #tpu.memory_space<hbm>> -> memref<1x1x197x237xf32, #tpu.memory_space<hbm>>
    %dma_wait3A_366 = tpu.memref_squeeze %dma_wait3A_365 : memref<1x1x197x237xf32, #tpu.memory_space<hbm>> -> memref<197x237xf32, #tpu.memory_space<hbm>>
    tpu.wait_dma2 semaphore(%arg11 : memref<!tpu.dma_semaphore, #tpu.memory_space<semaphore_mem>>) src(%arg7 : memref<197x237xf32, #tpu.memory_space<vmem>>) dst(%dma_wait3A_366 : memref<197x237xf32, #tpu.memory_space<hbm>>)
    %dma_wait3A_367 = arith.constant 1 : i32
    %dma_wait3A_368 = arith.constant 0 : i32
    %dma_wait3A_369 = arith.constant 0 : i32
    %dma_wait3A_370 = tpu.memref_slice %arg6[%add3A_234, %dma_wait3A_367, %dma_wait3A_368, %dma_wait3A_369] : memref<64x12x197x237xf32, #tpu.memory_space<hbm>> -> memref<1x1x197x237xf32, #tpu.memory_space<hbm>>
    %dma_wait3A_371 = tpu.memref_squeeze %dma_wait3A_370 : memref<1x1x197x237xf32, #tpu.memory_space<hbm>> -> memref<197x237xf32, #tpu.memory_space<hbm>>
    %dma_wait3A_372 = arith.constant 0 : i32
    %dma_wait3A_373 = arith.constant 0 : i32
    %dma_wait3A_374 = tpu.memref_slice %arg6[%add3A_234, %dma_wait3A_367, %dma_wait3A_372, %dma_wait3A_373] : memref<64x12x197x237xf32, #tpu.memory_space<hbm>> -> memref<1x1x197x237xf32, #tpu.memory_space<hbm>>
    %dma_wait3A_375 = tpu.memref_squeeze %dma_wait3A_374 : memref<1x1x197x237xf32, #tpu.memory_space<hbm>> -> memref<197x237xf32, #tpu.memory_space<hbm>>
    tpu.wait_dma2 semaphore(%arg11 : memref<!tpu.dma_semaphore, #tpu.memory_space<semaphore_mem>>) src(%arg7 : memref<197x237xf32, #tpu.memory_space<vmem>>) dst(%dma_wait3A_375 : memref<197x237xf32, #tpu.memory_space<hbm>>)
    %dma_wait3A_376 = arith.constant 2 : i32
    %dma_wait3A_377 = arith.constant 0 : i32
    %dma_wait3A_378 = arith.constant 0 : i32
    %dma_wait3A_379 = tpu.memref_slice %arg6[%add3A_234, %dma_wait3A_376, %dma_wait3A_377, %dma_wait3A_378] : memref<64x12x197x237xf32, #tpu.memory_space<hbm>> -> memref<1x1x197x237xf32, #tpu.memory_space<hbm>>
    %dma_wait3A_380 = tpu.memref_squeeze %dma_wait3A_379 : memref<1x1x197x237xf32, #tpu.memory_space<hbm>> -> memref<197x237xf32, #tpu.memory_space<hbm>>
    %dma_wait3A_381 = arith.constant 0 : i32
    %dma_wait3A_382 = arith.constant 0 : i32
    %dma_wait3A_383 = tpu.memref_slice %arg6[%add3A_234, %dma_wait3A_376, %dma_wait3A_381, %dma_wait3A_382] : memref<64x12x197x237xf32, #tpu.memory_space<hbm>> -> memref<1x1x197x237xf32, #tpu.memory_space<hbm>>
    %dma_wait3A_384 = tpu.memref_squeeze %dma_wait3A_383 : memref<1x1x197x237xf32, #tpu.memory_space<hbm>> -> memref<197x237xf32, #tpu.memory_space<hbm>>
    tpu.wait_dma2 semaphore(%arg11 : memref<!tpu.dma_semaphore, #tpu.memory_space<semaphore_mem>>) src(%arg7 : memref<197x237xf32, #tpu.memory_space<vmem>>) dst(%dma_wait3A_384 : memref<197x237xf32, #tpu.memory_space<hbm>>)
    %dma_wait3A_385 = arith.constant 3 : i32
    %dma_wait3A_386 = arith.constant 0 : i32
    %dma_wait3A_387 = arith.constant 0 : i32
    %dma_wait3A_388 = tpu.memref_slice %arg6[%add3A_234, %dma_wait3A_385, %dma_wait3A_386, %dma_wait3A_387] : memref<64x12x197x237xf32, #tpu.memory_space<hbm>> -> memref<1x1x197x237xf32, #tpu.memory_space<hbm>>
    %dma_wait3A_389 = tpu.memref_squeeze %dma_wait3A_388 : memref<1x1x197x237xf32, #tpu.memory_space<hbm>> -> memref<197x237xf32, #tpu.memory_space<hbm>>
    %dma_wait3A_390 = arith.constant 0 : i32
    %dma_wait3A_391 = arith.constant 0 : i32
    %dma_wait3A_392 = tpu.memref_slice %arg6[%add3A_234, %dma_wait3A_385, %dma_wait3A_390, %dma_wait3A_391] : memref<64x12x197x237xf32, #tpu.memory_space<hbm>> -> memref<1x1x197x237xf32, #tpu.memory_space<hbm>>
    %dma_wait3A_393 = tpu.memref_squeeze %dma_wait3A_392 : memref<1x1x197x237xf32, #tpu.memory_space<hbm>> -> memref<197x237xf32, #tpu.memory_space<hbm>>
    tpu.wait_dma2 semaphore(%arg11 : memref<!tpu.dma_semaphore, #tpu.memory_space<semaphore_mem>>) src(%arg7 : memref<197x237xf32, #tpu.memory_space<vmem>>) dst(%dma_wait3A_393 : memref<197x237xf32, #tpu.memory_space<hbm>>)
    %dma_wait3A_394 = arith.constant 4 : i32
    %dma_wait3A_395 = arith.constant 0 : i32
    %dma_wait3A_396 = arith.constant 0 : i32
    %dma_wait3A_397 = tpu.memref_slice %arg6[%add3A_234, %dma_wait3A_394, %dma_wait3A_395, %dma_wait3A_396] : memref<64x12x197x237xf32, #tpu.memory_space<hbm>> -> memref<1x1x197x237xf32, #tpu.memory_space<hbm>>
    %dma_wait3A_398 = tpu.memref_squeeze %dma_wait3A_397 : memref<1x1x197x237xf32, #tpu.memory_space<hbm>> -> memref<197x237xf32, #tpu.memory_space<hbm>>
    %dma_wait3A_399 = arith.constant 0 : i32
    %dma_wait3A_400 = arith.constant 0 : i32
    %dma_wait3A_401 = tpu.memref_slice %arg6[%add3A_234, %dma_wait3A_394, %dma_wait3A_399, %dma_wait3A_400] : memref<64x12x197x237xf32, #tpu.memory_space<hbm>> -> memref<1x1x197x237xf32, #tpu.memory_space<hbm>>
    %dma_wait3A_402 = tpu.memref_squeeze %dma_wait3A_401 : memref<1x1x197x237xf32, #tpu.memory_space<hbm>> -> memref<197x237xf32, #tpu.memory_space<hbm>>
    tpu.wait_dma2 semaphore(%arg11 : memref<!tpu.dma_semaphore, #tpu.memory_space<semaphore_mem>>) src(%arg7 : memref<197x237xf32, #tpu.memory_space<vmem>>) dst(%dma_wait3A_402 : memref<197x237xf32, #tpu.memory_space<hbm>>)
    %dma_wait3A_403 = arith.constant 5 : i32
    %dma_wait3A_404 = arith.constant 0 : i32
    %dma_wait3A_405 = arith.constant 0 : i32
    %dma_wait3A_406 = tpu.memref_slice %arg6[%add3A_234, %dma_wait3A_403, %dma_wait3A_404, %dma_wait3A_405] : memref<64x12x197x237xf32, #tpu.memory_space<hbm>> -> memref<1x1x197x237xf32, #tpu.memory_space<hbm>>
    %dma_wait3A_407 = tpu.memref_squeeze %dma_wait3A_406 : memref<1x1x197x237xf32, #tpu.memory_space<hbm>> -> memref<197x237xf32, #tpu.memory_space<hbm>>
    %dma_wait3A_408 = arith.constant 0 : i32
    %dma_wait3A_409 = arith.constant 0 : i32
    %dma_wait3A_410 = tpu.memref_slice %arg6[%add3A_234, %dma_wait3A_403, %dma_wait3A_408, %dma_wait3A_409] : memref<64x12x197x237xf32, #tpu.memory_space<hbm>> -> memref<1x1x197x237xf32, #tpu.memory_space<hbm>>
    %dma_wait3A_411 = tpu.memref_squeeze %dma_wait3A_410 : memref<1x1x197x237xf32, #tpu.memory_space<hbm>> -> memref<197x237xf32, #tpu.memory_space<hbm>>
    tpu.wait_dma2 semaphore(%arg11 : memref<!tpu.dma_semaphore, #tpu.memory_space<semaphore_mem>>) src(%arg7 : memref<197x237xf32, #tpu.memory_space<vmem>>) dst(%dma_wait3A_411 : memref<197x237xf32, #tpu.memory_space<hbm>>)
    %dma_wait3A_412 = arith.constant 6 : i32
    %dma_wait3A_413 = arith.constant 0 : i32
    %dma_wait3A_414 = arith.constant 0 : i32
    %dma_wait3A_415 = tpu.memref_slice %arg6[%add3A_234, %dma_wait3A_412, %dma_wait3A_413, %dma_wait3A_414] : memref<64x12x197x237xf32, #tpu.memory_space<hbm>> -> memref<1x1x197x237xf32, #tpu.memory_space<hbm>>
    %dma_wait3A_416 = tpu.memref_squeeze %dma_wait3A_415 : memref<1x1x197x237xf32, #tpu.memory_space<hbm>> -> memref<197x237xf32, #tpu.memory_space<hbm>>
    %dma_wait3A_417 = arith.constant 0 : i32
    %dma_wait3A_418 = arith.constant 0 : i32
    %dma_wait3A_419 = tpu.memref_slice %arg6[%add3A_234, %dma_wait3A_412, %dma_wait3A_417, %dma_wait3A_418] : memref<64x12x197x237xf32, #tpu.memory_space<hbm>> -> memref<1x1x197x237xf32, #tpu.memory_space<hbm>>
    %dma_wait3A_420 = tpu.memref_squeeze %dma_wait3A_419 : memref<1x1x197x237xf32, #tpu.memory_space<hbm>> -> memref<197x237xf32, #tpu.memory_space<hbm>>
    tpu.wait_dma2 semaphore(%arg11 : memref<!tpu.dma_semaphore, #tpu.memory_space<semaphore_mem>>) src(%arg7 : memref<197x237xf32, #tpu.memory_space<vmem>>) dst(%dma_wait3A_420 : memref<197x237xf32, #tpu.memory_space<hbm>>)
    %dma_wait3A_421 = arith.constant 7 : i32
    %dma_wait3A_422 = arith.constant 0 : i32
    %dma_wait3A_423 = arith.constant 0 : i32
    %dma_wait3A_424 = tpu.memref_slice %arg6[%add3A_234, %dma_wait3A_421, %dma_wait3A_422, %dma_wait3A_423] : memref<64x12x197x237xf32, #tpu.memory_space<hbm>> -> memref<1x1x197x237xf32, #tpu.memory_space<hbm>>
    %dma_wait3A_425 = tpu.memref_squeeze %dma_wait3A_424 : memref<1x1x197x237xf32, #tpu.memory_space<hbm>> -> memref<197x237xf32, #tpu.memory_space<hbm>>
    %dma_wait3A_426 = arith.constant 0 : i32
    %dma_wait3A_427 = arith.constant 0 : i32
    %dma_wait3A_428 = tpu.memref_slice %arg6[%add3A_234, %dma_wait3A_421, %dma_wait3A_426, %dma_wait3A_427] : memref<64x12x197x237xf32, #tpu.memory_space<hbm>> -> memref<1x1x197x237xf32, #tpu.memory_space<hbm>>
    %dma_wait3A_429 = tpu.memref_squeeze %dma_wait3A_428 : memref<1x1x197x237xf32, #tpu.memory_space<hbm>> -> memref<197x237xf32, #tpu.memory_space<hbm>>
    tpu.wait_dma2 semaphore(%arg11 : memref<!tpu.dma_semaphore, #tpu.memory_space<semaphore_mem>>) src(%arg7 : memref<197x237xf32, #tpu.memory_space<vmem>>) dst(%dma_wait3A_429 : memref<197x237xf32, #tpu.memory_space<hbm>>)
    %dma_wait3A_430 = arith.constant 8 : i32
    %dma_wait3A_431 = arith.constant 0 : i32
    %dma_wait3A_432 = arith.constant 0 : i32
    %dma_wait3A_433 = tpu.memref_slice %arg6[%add3A_234, %dma_wait3A_430, %dma_wait3A_431, %dma_wait3A_432] : memref<64x12x197x237xf32, #tpu.memory_space<hbm>> -> memref<1x1x197x237xf32, #tpu.memory_space<hbm>>
    %dma_wait3A_434 = tpu.memref_squeeze %dma_wait3A_433 : memref<1x1x197x237xf32, #tpu.memory_space<hbm>> -> memref<197x237xf32, #tpu.memory_space<hbm>>
    %dma_wait3A_435 = arith.constant 0 : i32
    %dma_wait3A_436 = arith.constant 0 : i32
    %dma_wait3A_437 = tpu.memref_slice %arg6[%add3A_234, %dma_wait3A_430, %dma_wait3A_435, %dma_wait3A_436] : memref<64x12x197x237xf32, #tpu.memory_space<hbm>> -> memref<1x1x197x237xf32, #tpu.memory_space<hbm>>
    %dma_wait3A_438 = tpu.memref_squeeze %dma_wait3A_437 : memref<1x1x197x237xf32, #tpu.memory_space<hbm>> -> memref<197x237xf32, #tpu.memory_space<hbm>>
    tpu.wait_dma2 semaphore(%arg11 : memref<!tpu.dma_semaphore, #tpu.memory_space<semaphore_mem>>) src(%arg7 : memref<197x237xf32, #tpu.memory_space<vmem>>) dst(%dma_wait3A_438 : memref<197x237xf32, #tpu.memory_space<hbm>>)
    %dma_wait3A_439 = arith.constant 9 : i32
    %dma_wait3A_440 = arith.constant 0 : i32
    %dma_wait3A_441 = arith.constant 0 : i32
    %dma_wait3A_442 = tpu.memref_slice %arg6[%add3A_234, %dma_wait3A_439, %dma_wait3A_440, %dma_wait3A_441] : memref<64x12x197x237xf32, #tpu.memory_space<hbm>> -> memref<1x1x197x237xf32, #tpu.memory_space<hbm>>
    %dma_wait3A_443 = tpu.memref_squeeze %dma_wait3A_442 : memref<1x1x197x237xf32, #tpu.memory_space<hbm>> -> memref<197x237xf32, #tpu.memory_space<hbm>>
    %dma_wait3A_444 = arith.constant 0 : i32
    %dma_wait3A_445 = arith.constant 0 : i32
    %dma_wait3A_446 = tpu.memref_slice %arg6[%add3A_234, %dma_wait3A_439, %dma_wait3A_444, %dma_wait3A_445] : memref<64x12x197x237xf32, #tpu.memory_space<hbm>> -> memref<1x1x197x237xf32, #tpu.memory_space<hbm>>
    %dma_wait3A_447 = tpu.memref_squeeze %dma_wait3A_446 : memref<1x1x197x237xf32, #tpu.memory_space<hbm>> -> memref<197x237xf32, #tpu.memory_space<hbm>>
    tpu.wait_dma2 semaphore(%arg11 : memref<!tpu.dma_semaphore, #tpu.memory_space<semaphore_mem>>) src(%arg7 : memref<197x237xf32, #tpu.memory_space<vmem>>) dst(%dma_wait3A_447 : memref<197x237xf32, #tpu.memory_space<hbm>>)
    %dma_wait3A_448 = arith.constant 10 : i32
    %dma_wait3A_449 = arith.constant 0 : i32
    %dma_wait3A_450 = arith.constant 0 : i32
    %dma_wait3A_451 = tpu.memref_slice %arg6[%add3A_234, %dma_wait3A_448, %dma_wait3A_449, %dma_wait3A_450] : memref<64x12x197x237xf32, #tpu.memory_space<hbm>> -> memref<1x1x197x237xf32, #tpu.memory_space<hbm>>
    %dma_wait3A_452 = tpu.memref_squeeze %dma_wait3A_451 : memref<1x1x197x237xf32, #tpu.memory_space<hbm>> -> memref<197x237xf32, #tpu.memory_space<hbm>>
    %dma_wait3A_453 = arith.constant 0 : i32
    %dma_wait3A_454 = arith.constant 0 : i32
    %dma_wait3A_455 = tpu.memref_slice %arg6[%add3A_234, %dma_wait3A_448, %dma_wait3A_453, %dma_wait3A_454] : memref<64x12x197x237xf32, #tpu.memory_space<hbm>> -> memref<1x1x197x237xf32, #tpu.memory_space<hbm>>
    %dma_wait3A_456 = tpu.memref_squeeze %dma_wait3A_455 : memref<1x1x197x237xf32, #tpu.memory_space<hbm>> -> memref<197x237xf32, #tpu.memory_space<hbm>>
    tpu.wait_dma2 semaphore(%arg11 : memref<!tpu.dma_semaphore, #tpu.memory_space<semaphore_mem>>) src(%arg7 : memref<197x237xf32, #tpu.memory_space<vmem>>) dst(%dma_wait3A_456 : memref<197x237xf32, #tpu.memory_space<hbm>>)
    %dma_wait3A_457 = arith.constant 11 : i32
    %dma_wait3A_458 = arith.constant 0 : i32
    %dma_wait3A_459 = arith.constant 0 : i32
    %dma_wait3A_460 = tpu.memref_slice %arg6[%add3A_234, %dma_wait3A_457, %dma_wait3A_458, %dma_wait3A_459] : memref<64x12x197x237xf32, #tpu.memory_space<hbm>> -> memref<1x1x197x237xf32, #tpu.memory_space<hbm>>
    %dma_wait3A_461 = tpu.memref_squeeze %dma_wait3A_460 : memref<1x1x197x237xf32, #tpu.memory_space<hbm>> -> memref<197x237xf32, #tpu.memory_space<hbm>>
    %dma_wait3A_462 = arith.constant 0 : i32
    %dma_wait3A_463 = arith.constant 0 : i32
    %dma_wait3A_464 = tpu.memref_slice %arg6[%add3A_234, %dma_wait3A_457, %dma_wait3A_462, %dma_wait3A_463] : memref<64x12x197x237xf32, #tpu.memory_space<hbm>> -> memref<1x1x197x237xf32, #tpu.memory_space<hbm>>
    %dma_wait3A_465 = tpu.memref_squeeze %dma_wait3A_464 : memref<1x1x197x237xf32, #tpu.memory_space<hbm>> -> memref<197x237xf32, #tpu.memory_space<hbm>>
    tpu.wait_dma2 semaphore(%arg11 : memref<!tpu.dma_semaphore, #tpu.memory_space<semaphore_mem>>) src(%arg7 : memref<197x237xf32, #tpu.memory_space<vmem>>) dst(%dma_wait3A_465 : memref<197x237xf32, #tpu.memory_space<hbm>>)
    return
  }
}

module attributes {stable_mosaic.version = 14 : i64} {
  func.func @_tc_body(%arg0: i32, %arg1: memref<1x197x768xf32, #tpu.memory_space<vmem>>, %arg2: memref<128x768xf32, #tpu.memory_space<vmem>>, %arg3: memref<1x197x40xf32, #tpu.memory_space<vmem>>, %arg4: memref<8x128xf32, #tpu.memory_space<vmem>>) attributes {dimension_semantics = [#tpu.dimension_semantics<arbitrary>], iteration_bounds = array<i64: 64>, scalar_prefetch = 0 : i64, scratch_operands = 0 : i64, tpu.core_type = #tpu.core_type<tc>, window_params = [{transform_indices = @transform_0, window_bounds = array<i64: 1, 197, 768>}, {pipeline_mode = #tpu.pipeline_mode<synchronous>, transform_indices = @transform_1, window_bounds = array<i64: 128, 768>}, {transform_indices = @transform_2, window_bounds = array<i64: 1, 197, 40>}, {pipeline_mode = #tpu.pipeline_mode<synchronous>, transform_indices = @transform_3, window_bounds = array<i64: 8, 128>}]} {
    %get3A = arith.constant 0 : index
    %get3A_0 = arith.constant 0 : index
    %get3A_1 = arith.constant 0 : index
    %get3A_2 = vector.load %arg1[%get3A, %get3A_0, %get3A_1] : memref<1x197x768xf32, #tpu.memory_space<vmem>>, vector<1x197x768xf32>
    %get3A_3 = vector.shape_cast %get3A_2 : vector<1x197x768xf32> to vector<197x768xf32>
    %mul3A = arith.mulf %get3A_3, %get3A_3 : vector<197x768xf32>
    %reduce_sum3A = arith.constant dense<0.000000e+00> : vector<197xf32>
    %reduce_sum3A_4 = vector.multi_reduction <add>, %mul3A, %reduce_sum3A [1] : vector<197x768xf32> to vector<197xf32>
    %broadcast_in_dim3A = vector.shape_cast %reduce_sum3A_4 : vector<197xf32> to vector<197x1xf32>
    %sqrt3A = math.sqrt %broadcast_in_dim3A : vector<197x1xf32>
    %max3A = arith.constant 9.99999996E-13 : f32
    %max3A_5 = vector.broadcast %max3A : f32 to vector<197x1xf32>
    %max3A_6 = arith.maximumf %sqrt3A, %max3A_5 : vector<197x1xf32>
    %div3A = vector.broadcast %max3A_6 : vector<197x1xf32> to vector<197x768xf32>
    %div3A_7 = arith.divf %get3A_3, %div3A : vector<197x768xf32>
    %get3A_8 = arith.constant 0 : index
    %get3A_9 = arith.constant 0 : index
    %get3A_10 = vector.load %arg2[%get3A_8, %get3A_9] : memref<128x768xf32, #tpu.memory_space<vmem>>, vector<128x768xf32>
    %mul3A_11 = arith.mulf %get3A_10, %get3A_10 : vector<128x768xf32>
    %reduce_sum3A_12 = arith.constant dense<0.000000e+00> : vector<128xf32>
    %reduce_sum3A_13 = vector.multi_reduction <add>, %mul3A_11, %reduce_sum3A_12 [1] : vector<128x768xf32> to vector<128xf32>
    %broadcast_in_dim3A_14 = vector.shape_cast %reduce_sum3A_13 : vector<128xf32> to vector<128x1xf32>
    %sqrt3A_15 = math.sqrt %broadcast_in_dim3A_14 : vector<128x1xf32>
    %max3A_16 = arith.constant 9.99999996E-13 : f32
    %max3A_17 = vector.broadcast %max3A_16 : f32 to vector<128x1xf32>
    %max3A_18 = arith.maximumf %sqrt3A_15, %max3A_17 : vector<128x1xf32>
    %div3A_19 = vector.broadcast %max3A_18 : vector<128x1xf32> to vector<128x768xf32>
    %div3A_20 = arith.divf %get3A_10, %div3A_19 : vector<128x768xf32>
    %dot_general3A = arith.constant dense<0.000000e+00> : vector<197x128xf32>
    %dot_general3A_21 = tpu.matmul %div3A_7, %div3A_20, %dot_general3A {dimension_numbers = #tpu.dot_dimension_numbers<[1], [1], [0], [0], [0, 0, 1, 0], [], []>, transpose_lhs_hint = false} : vector<197x768xf32>, vector<128x768xf32>, vector<197x128xf32> -> vector<197x128xf32>
    %iota3A = tpu.iota {dimensions = array<i32: 0>} : vector<197x128xi32>
    %iota3A_22 = tpu.iota {dimensions = array<i32: 1>} : vector<197x128xi32>
    %eq3A = arith.constant 0 : i32
    %eq3A_23 = vector.broadcast %eq3A : i32 to vector<197x128xi32>
    %eq3A_24 = arith.cmpi eq, %iota3A, %eq3A_23 : vector<197x128xi32>
    %lt3A = arith.constant 20 : i32
    %lt3A_25 = vector.broadcast %lt3A : i32 to vector<197x128xi32>
    %lt3A_26 = arith.cmpi slt, %iota3A_22, %lt3A_25 : vector<197x128xi32>
    %and3A = arith.andi %eq3A_24, %lt3A_26 : vector<197x128xi1>
    %ne3A = arith.constant 0 : i32
    %ne3A_27 = vector.broadcast %ne3A : i32 to vector<197x128xi32>
    %ne3A_28 = arith.cmpi ne, %iota3A, %ne3A_27 : vector<197x128xi32>
    %ge3A = arith.constant 20 : i32
    %ge3A_29 = vector.broadcast %ge3A : i32 to vector<197x128xi32>
    %ge3A_30 = arith.cmpi sge, %iota3A_22, %ge3A_29 : vector<197x128xi32>
    %and3A_31 = arith.andi %ne3A_28, %ge3A_30 : vector<197x128xi1>
    %lt3A_32 = arith.constant 40 : i32
    %lt3A_33 = vector.broadcast %lt3A_32 : i32 to vector<197x128xi32>
    %lt3A_34 = arith.cmpi slt, %iota3A_22, %lt3A_33 : vector<197x128xi32>
    %and3A_35 = arith.andi %and3A_31, %lt3A_34 : vector<197x128xi1>
    %or3A = arith.ori %and3A, %and3A_35 : vector<197x128xi1>
    %jit3A = arith.constant -2.000000e+00 : f32
    %broadcast_in_dim3A_36 = vector.broadcast %jit3A : f32 to vector<197x128xf32>
    %select_n3A = arith.select %or3A, %dot_general3A_21, %broadcast_in_dim3A_36 : vector<197x128xi1>, vector<197x128xf32>
    %broadcast_in_dim3A_37 = arith.constant 0.000000e+00 : f32
    %broadcast_in_dim3A_38 = vector.broadcast %broadcast_in_dim3A_37 : f32 to vector<197x128xf32>
    %broadcast_in_dim3A_39 = arith.constant 0.000000e+00 : f32
    %broadcast_in_dim3A_40 = vector.broadcast %broadcast_in_dim3A_39 : f32 to vector<197x1xf32>
    %reduce_max3A = arith.constant dense<0xFF800000> : vector<197xf32>
    %reduce_max3A_41 = vector.multi_reduction <maximumf>, %select_n3A, %reduce_max3A [1] : vector<197x128xf32> to vector<197xf32>
    %broadcast_in_dim3A_42 = vector.shape_cast %reduce_max3A_41 : vector<197xf32> to vector<197x1xf32>
    %eq3A_43 = vector.broadcast %broadcast_in_dim3A_42 : vector<197x1xf32> to vector<197x128xf32>
    %eq3A_44 = arith.cmpf oeq, %select_n3A, %eq3A_43 : vector<197x128xf32>
    %jit3A_45 = arith.constant 128 : i32
    %broadcast_in_dim3A_46 = vector.broadcast %jit3A_45 : i32 to vector<197x128xi32>
    %select_n3A_47 = arith.select %eq3A_44, %iota3A_22, %broadcast_in_dim3A_46 : vector<197x128xi1>, vector<197x128xi32>
    %reduce_min3A = arith.constant dense<2147483647> : vector<197xi32>
    %reduce_min3A_48 = vector.multi_reduction <minsi>, %select_n3A_47, %reduce_min3A [1] : vector<197x128xi32> to vector<197xi32>
    %broadcast_in_dim3A_49 = vector.shape_cast %reduce_min3A_48 : vector<197xi32> to vector<197x1xi32>
    %eq3A_50 = vector.broadcast %broadcast_in_dim3A_49 : vector<197x1xi32> to vector<197x128xi32>
    %eq3A_51 = arith.cmpi eq, %iota3A_22, %eq3A_50 : vector<197x128xi32>
    %jit3A_52 = arith.constant 1.000000e+00 : f32
    %broadcast_in_dim3A_53 = vector.broadcast %jit3A_52 : f32 to vector<197x128xf32>
    %select_n3A_54 = arith.select %eq3A_51, %broadcast_in_dim3A_53, %broadcast_in_dim3A_38 : vector<197x128xi1>, vector<197x128xf32>
    %add3A = arith.addf %broadcast_in_dim3A_40, %broadcast_in_dim3A_42 : vector<197x1xf32>
    %jit3A_55 = arith.constant -3.000000e+00 : f32
    %broadcast_in_dim3A_56 = vector.broadcast %jit3A_55 : f32 to vector<197x128xf32>
    %select_n3A_57 = arith.select %eq3A_51, %broadcast_in_dim3A_56, %select_n3A : vector<197x128xi1>, vector<197x128xf32>
    %reduce_max3A_58 = arith.constant dense<0xFF800000> : vector<197xf32>
    %reduce_max3A_59 = vector.multi_reduction <maximumf>, %select_n3A_57, %reduce_max3A_58 [1] : vector<197x128xf32> to vector<197xf32>
    %broadcast_in_dim3A_60 = vector.shape_cast %reduce_max3A_59 : vector<197xf32> to vector<197x1xf32>
    %eq3A_61 = vector.broadcast %broadcast_in_dim3A_60 : vector<197x1xf32> to vector<197x128xf32>
    %eq3A_62 = arith.cmpf oeq, %select_n3A_57, %eq3A_61 : vector<197x128xf32>
    %jit3A_63 = arith.constant 128 : i32
    %broadcast_in_dim3A_64 = vector.broadcast %jit3A_63 : i32 to vector<197x128xi32>
    %select_n3A_65 = arith.select %eq3A_62, %iota3A_22, %broadcast_in_dim3A_64 : vector<197x128xi1>, vector<197x128xi32>
    %reduce_min3A_66 = arith.constant dense<2147483647> : vector<197xi32>
    %reduce_min3A_67 = vector.multi_reduction <minsi>, %select_n3A_65, %reduce_min3A_66 [1] : vector<197x128xi32> to vector<197xi32>
    %broadcast_in_dim3A_68 = vector.shape_cast %reduce_min3A_67 : vector<197xi32> to vector<197x1xi32>
    %eq3A_69 = vector.broadcast %broadcast_in_dim3A_68 : vector<197x1xi32> to vector<197x128xi32>
    %eq3A_70 = arith.cmpi eq, %iota3A_22, %eq3A_69 : vector<197x128xi32>
    %jit3A_71 = arith.constant 1.000000e+00 : f32
    %broadcast_in_dim3A_72 = vector.broadcast %jit3A_71 : f32 to vector<197x128xf32>
    %select_n3A_73 = arith.select %eq3A_70, %broadcast_in_dim3A_72, %select_n3A_54 : vector<197x128xi1>, vector<197x128xf32>
    %add3A_74 = arith.addf %add3A, %broadcast_in_dim3A_60 : vector<197x1xf32>
    %jit3A_75 = arith.constant -3.000000e+00 : f32
    %broadcast_in_dim3A_76 = vector.broadcast %jit3A_75 : f32 to vector<197x128xf32>
    %select_n3A_77 = arith.select %eq3A_70, %broadcast_in_dim3A_76, %select_n3A_57 : vector<197x128xi1>, vector<197x128xf32>
    %reduce_max3A_78 = arith.constant dense<0xFF800000> : vector<197xf32>
    %reduce_max3A_79 = vector.multi_reduction <maximumf>, %select_n3A_77, %reduce_max3A_78 [1] : vector<197x128xf32> to vector<197xf32>
    %broadcast_in_dim3A_80 = vector.shape_cast %reduce_max3A_79 : vector<197xf32> to vector<197x1xf32>
    %eq3A_81 = vector.broadcast %broadcast_in_dim3A_80 : vector<197x1xf32> to vector<197x128xf32>
    %eq3A_82 = arith.cmpf oeq, %select_n3A_77, %eq3A_81 : vector<197x128xf32>
    %jit3A_83 = arith.constant 128 : i32
    %broadcast_in_dim3A_84 = vector.broadcast %jit3A_83 : i32 to vector<197x128xi32>
    %select_n3A_85 = arith.select %eq3A_82, %iota3A_22, %broadcast_in_dim3A_84 : vector<197x128xi1>, vector<197x128xi32>
    %reduce_min3A_86 = arith.constant dense<2147483647> : vector<197xi32>
    %reduce_min3A_87 = vector.multi_reduction <minsi>, %select_n3A_85, %reduce_min3A_86 [1] : vector<197x128xi32> to vector<197xi32>
    %broadcast_in_dim3A_88 = vector.shape_cast %reduce_min3A_87 : vector<197xi32> to vector<197x1xi32>
    %eq3A_89 = vector.broadcast %broadcast_in_dim3A_88 : vector<197x1xi32> to vector<197x128xi32>
    %eq3A_90 = arith.cmpi eq, %iota3A_22, %eq3A_89 : vector<197x128xi32>
    %jit3A_91 = arith.constant 1.000000e+00 : f32
    %broadcast_in_dim3A_92 = vector.broadcast %jit3A_91 : f32 to vector<197x128xf32>
    %select_n3A_93 = arith.select %eq3A_90, %broadcast_in_dim3A_92, %select_n3A_73 : vector<197x128xi1>, vector<197x128xf32>
    %add3A_94 = arith.addf %add3A_74, %broadcast_in_dim3A_80 : vector<197x1xf32>
    %jit3A_95 = arith.constant -3.000000e+00 : f32
    %broadcast_in_dim3A_96 = vector.broadcast %jit3A_95 : f32 to vector<197x128xf32>
    %select_n3A_97 = arith.select %eq3A_90, %broadcast_in_dim3A_96, %select_n3A_77 : vector<197x128xi1>, vector<197x128xf32>
    %reduce_max3A_98 = arith.constant dense<0xFF800000> : vector<197xf32>
    %reduce_max3A_99 = vector.multi_reduction <maximumf>, %select_n3A_97, %reduce_max3A_98 [1] : vector<197x128xf32> to vector<197xf32>
    %broadcast_in_dim3A_100 = vector.shape_cast %reduce_max3A_99 : vector<197xf32> to vector<197x1xf32>
    %eq3A_101 = vector.broadcast %broadcast_in_dim3A_100 : vector<197x1xf32> to vector<197x128xf32>
    %eq3A_102 = arith.cmpf oeq, %select_n3A_97, %eq3A_101 : vector<197x128xf32>
    %jit3A_103 = arith.constant 128 : i32
    %broadcast_in_dim3A_104 = vector.broadcast %jit3A_103 : i32 to vector<197x128xi32>
    %select_n3A_105 = arith.select %eq3A_102, %iota3A_22, %broadcast_in_dim3A_104 : vector<197x128xi1>, vector<197x128xi32>
    %reduce_min3A_106 = arith.constant dense<2147483647> : vector<197xi32>
    %reduce_min3A_107 = vector.multi_reduction <minsi>, %select_n3A_105, %reduce_min3A_106 [1] : vector<197x128xi32> to vector<197xi32>
    %broadcast_in_dim3A_108 = vector.shape_cast %reduce_min3A_107 : vector<197xi32> to vector<197x1xi32>
    %eq3A_109 = vector.broadcast %broadcast_in_dim3A_108 : vector<197x1xi32> to vector<197x128xi32>
    %eq3A_110 = arith.cmpi eq, %iota3A_22, %eq3A_109 : vector<197x128xi32>
    %jit3A_111 = arith.constant 1.000000e+00 : f32
    %broadcast_in_dim3A_112 = vector.broadcast %jit3A_111 : f32 to vector<197x128xf32>
    %select_n3A_113 = arith.select %eq3A_110, %broadcast_in_dim3A_112, %select_n3A_93 : vector<197x128xi1>, vector<197x128xf32>
    %add3A_114 = arith.addf %add3A_94, %broadcast_in_dim3A_100 : vector<197x1xf32>
    %jit3A_115 = arith.constant -3.000000e+00 : f32
    %broadcast_in_dim3A_116 = vector.broadcast %jit3A_115 : f32 to vector<197x128xf32>
    %select_n3A_117 = arith.select %eq3A_110, %broadcast_in_dim3A_116, %select_n3A_97 : vector<197x128xi1>, vector<197x128xf32>
    %reduce_max3A_118 = arith.constant dense<0xFF800000> : vector<197xf32>
    %reduce_max3A_119 = vector.multi_reduction <maximumf>, %select_n3A_117, %reduce_max3A_118 [1] : vector<197x128xf32> to vector<197xf32>
    %broadcast_in_dim3A_120 = vector.shape_cast %reduce_max3A_119 : vector<197xf32> to vector<197x1xf32>
    %eq3A_121 = vector.broadcast %broadcast_in_dim3A_120 : vector<197x1xf32> to vector<197x128xf32>
    %eq3A_122 = arith.cmpf oeq, %select_n3A_117, %eq3A_121 : vector<197x128xf32>
    %jit3A_123 = arith.constant 128 : i32
    %broadcast_in_dim3A_124 = vector.broadcast %jit3A_123 : i32 to vector<197x128xi32>
    %select_n3A_125 = arith.select %eq3A_122, %iota3A_22, %broadcast_in_dim3A_124 : vector<197x128xi1>, vector<197x128xi32>
    %reduce_min3A_126 = arith.constant dense<2147483647> : vector<197xi32>
    %reduce_min3A_127 = vector.multi_reduction <minsi>, %select_n3A_125, %reduce_min3A_126 [1] : vector<197x128xi32> to vector<197xi32>
    %broadcast_in_dim3A_128 = vector.shape_cast %reduce_min3A_127 : vector<197xi32> to vector<197x1xi32>
    %eq3A_129 = vector.broadcast %broadcast_in_dim3A_128 : vector<197x1xi32> to vector<197x128xi32>
    %eq3A_130 = arith.cmpi eq, %iota3A_22, %eq3A_129 : vector<197x128xi32>
    %jit3A_131 = arith.constant 1.000000e+00 : f32
    %broadcast_in_dim3A_132 = vector.broadcast %jit3A_131 : f32 to vector<197x128xf32>
    %select_n3A_133 = arith.select %eq3A_130, %broadcast_in_dim3A_132, %select_n3A_113 : vector<197x128xi1>, vector<197x128xf32>
    %add3A_134 = arith.addf %add3A_114, %broadcast_in_dim3A_120 : vector<197x1xf32>
    %slice3A = vector.extract_strided_slice %select_n3A_133 {offsets = [0, 0], sizes = [197, 40], strides = [1, 1]} : vector<197x128xf32> to vector<197x40xf32>
    %swap3A = arith.constant 0 : index
    %swap3A_135 = arith.constant 0 : index
    %swap3A_136 = arith.constant 0 : index
    %swap3A_137 = vector.load %arg3[%swap3A, %swap3A_135, %swap3A_136] : memref<1x197x40xf32, #tpu.memory_space<vmem>>, vector<1x197x40xf32>
    %swap3A_138 = vector.shape_cast %swap3A_137 : vector<1x197x40xf32> to vector<197x40xf32>
    %swap3A_139 = vector.shape_cast %slice3A : vector<197x40xf32> to vector<1x197x40xf32>
    tpu.vector_store %arg3[%swap3A, %swap3A_135, %swap3A_136], %swap3A_139 {strides = array<i32>} : memref<1x197x40xf32, #tpu.memory_space<vmem>>, vector<1x197x40xf32>,
    %iota3A_140 = tpu.iota {dimensions = array<i32: 0>} : vector<197x1xi32>
    %eq3A_141 = arith.constant 0 : i32
    %eq3A_142 = vector.broadcast %eq3A_141 : i32 to vector<197x1xi32>
    %eq3A_143 = arith.cmpi eq, %iota3A_140, %eq3A_142 : vector<197x1xi32>
    %jit3A_144 = arith.constant 0.000000e+00 : f32
    %broadcast_in_dim3A_145 = vector.broadcast %jit3A_144 : f32 to vector<197x1xf32>
    %select_n3A_146 = arith.select %eq3A_143, %add3A_134, %broadcast_in_dim3A_145 : vector<197x1xi1>, vector<197x1xf32>
    %reduce_sum3A_147 = vector.shape_cast %select_n3A_146 : vector<197x1xf32> to vector<1x197x1xf32>
    %reduce_sum3A_148 = arith.constant dense<0.000000e+00> : vector<1xf32>
    %reduce_sum3A_149 = vector.multi_reduction <add>, %reduce_sum3A_147, %reduce_sum3A_148 [1, 2] : vector<1x197x1xf32> to vector<1xf32>
    %reduce_sum3A_150 = vector.shape_cast %reduce_sum3A_149 : vector<1xf32> to vector<1x1x1xf32>
    %reduce_sum3A_151 = vector.extract %reduce_sum3A_150[0, 0, 0] : f32 from vector<1x1x1xf32>
    %eq3A_152 = arith.constant 0 : i32
    %eq3A_153 = vector.broadcast %eq3A_152 : i32 to vector<197x1xi32>
    %eq3A_154 = arith.cmpi eq, %iota3A_140, %eq3A_153 : vector<197x1xi32>
    %jit3A_155 = arith.constant 0.000000e+00 : f32
    %broadcast_in_dim3A_156 = vector.broadcast %jit3A_155 : f32 to vector<197x1xf32>
    %select_n3A_157 = arith.select %eq3A_154, %broadcast_in_dim3A_156, %add3A_134 : vector<197x1xi1>, vector<197x1xf32>
    %reduce_sum3A_158 = vector.shape_cast %select_n3A_157 : vector<197x1xf32> to vector<1x197x1xf32>
    %reduce_sum3A_159 = arith.constant dense<0.000000e+00> : vector<1xf32>
    %reduce_sum3A_160 = vector.multi_reduction <add>, %reduce_sum3A_158, %reduce_sum3A_159 [1, 2] : vector<1x197x1xf32> to vector<1xf32>
    %reduce_sum3A_161 = vector.shape_cast %reduce_sum3A_160 : vector<1xf32> to vector<1x1x1xf32>
    %reduce_sum3A_162 = vector.extract %reduce_sum3A_161[0, 0, 0] : f32 from vector<1x1x1xf32>
    %iota3A_163 = tpu.iota {dimensions = array<i32: 0>} : vector<8x128xi32>
    %iota3A_164 = tpu.iota {dimensions = array<i32: 1>} : vector<8x128xi32>
    %eq3A_165 = arith.constant 0 : i32
    %eq3A_166 = vector.broadcast %eq3A_165 : i32 to vector<8x128xi32>
    %eq3A_167 = arith.cmpi eq, %iota3A_163, %eq3A_166 : vector<8x128xi32>
    %eq3A_168 = arith.constant 0 : i32
    %eq3A_169 = vector.broadcast %eq3A_168 : i32 to vector<8x128xi32>
    %eq3A_170 = arith.cmpi eq, %iota3A_164, %eq3A_169 : vector<8x128xi32>
    %and3A_171 = arith.andi %eq3A_167, %eq3A_170 : vector<8x128xi1>
    %jit3A_172 = arith.constant 0.000000e+00 : f32
    %broadcast_in_dim3A_173 = vector.broadcast %reduce_sum3A_151 : f32 to vector<8x128xf32>
    %broadcast_in_dim3A_174 = vector.broadcast %jit3A_172 : f32 to vector<8x128xf32>
    %select_n3A_175 = arith.select %and3A_171, %broadcast_in_dim3A_173, %broadcast_in_dim3A_174 : vector<8x128xi1>, vector<8x128xf32>
    %eq3A_176 = arith.constant 0 : i32
    %eq3A_177 = vector.broadcast %eq3A_176 : i32 to vector<8x128xi32>
    %eq3A_178 = arith.cmpi eq, %iota3A_163, %eq3A_177 : vector<8x128xi32>
    %eq3A_179 = arith.constant 1 : i32
    %eq3A_180 = vector.broadcast %eq3A_179 : i32 to vector<8x128xi32>
    %eq3A_181 = arith.cmpi eq, %iota3A_164, %eq3A_180 : vector<8x128xi32>
    %and3A_182 = arith.andi %eq3A_178, %eq3A_181 : vector<8x128xi1>
    %jit3A_183 = arith.constant 0.000000e+00 : f32
    %broadcast_in_dim3A_184 = vector.broadcast %reduce_sum3A_162 : f32 to vector<8x128xf32>
    %broadcast_in_dim3A_185 = vector.broadcast %jit3A_183 : f32 to vector<8x128xf32>
    %select_n3A_186 = arith.select %and3A_182, %broadcast_in_dim3A_184, %broadcast_in_dim3A_185 : vector<8x128xi1>, vector<8x128xf32>
    %add3A_187 = arith.addf %select_n3A_175, %select_n3A_186 : vector<8x128xf32>
    %eq3A_188 = arith.constant 0 : i32
    %eq3A_189 = arith.cmpi eq, %arg0, %eq3A_188 : i32
    %convert_element_type3A = arith.extui %eq3A_189 : i1 to i32
    %cond3A = arith.constant 0 : i32
    %cond3A_190 = arith.cmpi ne, %convert_element_type3A, %cond3A : i32
    scf.if %cond3A_190 {
      %broadcast_in_dim3A_198 = arith.constant 0.000000e+00 : f32
      %broadcast_in_dim3A_199 = vector.broadcast %broadcast_in_dim3A_198 : f32 to vector<8x128xf32>
      %swap3A_200 = arith.constant 0 : index
      %swap3A_201 = arith.constant 0 : index
      %swap3A_202 = vector.load %arg4[%swap3A_200, %swap3A_201] : memref<8x128xf32, #tpu.memory_space<vmem>>, vector<8x128xf32>
      tpu.vector_store %arg4[%swap3A_200, %swap3A_201], %broadcast_in_dim3A_199 {strides = array<i32>} : memref<8x128xf32, #tpu.memory_space<vmem>>, vector<8x128xf32>,
    } else {
    }
    %get3A_191 = arith.constant 0 : index
    %get3A_192 = arith.constant 0 : index
    %get3A_193 = vector.load %arg4[%get3A_191, %get3A_192] : memref<8x128xf32, #tpu.memory_space<vmem>>, vector<8x128xf32>
    %add3A_194 = arith.addf %get3A_193, %add3A_187 : vector<8x128xf32>
    %swap3A_195 = arith.constant 0 : index
    %swap3A_196 = arith.constant 0 : index
    %swap3A_197 = vector.load %arg4[%swap3A_195, %swap3A_196] : memref<8x128xf32, #tpu.memory_space<vmem>>, vector<8x128xf32>
    tpu.vector_store %arg4[%swap3A_195, %swap3A_196], %add3A_194 {strides = array<i32>} : memref<8x128xf32, #tpu.memory_space<vmem>>, vector<8x128xf32>,
    return
  }
  func.func @transform_0(%arg0: i32) -> (i32, i32, i32) {
    %c0_i32 = arith.constant 0 : i32
    %c0_i32_0 = arith.constant 0 : i32
    %c0_i32_1 = arith.constant 0 : i32
    return %arg0, %c0_i32, %c0_i32_0 : i32, i32, i32
  }
  func.func @transform_1(%arg0: i32) -> (i32, i32) {
    %c0_i32 = arith.constant 0 : i32
    %c0_i32_0 = arith.constant 0 : i32
    %c0_i32_1 = arith.constant 0 : i32
    return %c0_i32, %c0_i32_0 : i32, i32
  }
  func.func @transform_2(%arg0: i32) -> (i32, i32, i32) {
    %c0_i32 = arith.constant 0 : i32
    %c0_i32_0 = arith.constant 0 : i32
    %c0_i32_1 = arith.constant 0 : i32
    return %arg0, %c0_i32, %c0_i32_0 : i32, i32, i32
  }
  func.func @transform_3(%arg0: i32) -> (i32, i32) {
    %c0_i32 = arith.constant 0 : i32
    %c0_i32_0 = arith.constant 0 : i32
    %c0_i32_1 = arith.constant 0 : i32
    return %c0_i32, %c0_i32_0 : i32, i32
  }
}

</mosaic_0001>

<sc_bundles>
// kernel: kernel.4.cloned.1.call-start
scs
__scs_entry_jumppad:
0x0: {  	(pc) =	sbr.rel $0x88, $3  }
0x1: {  	(tag) =	ssettag $0x0;
	lr =	simm.s32 $0x1  }
0x2: {  	[smem:$0x3F9D] =	sst lr;
	_ =	strace $0xD0000000  }
0x3: {  	_ = 	snop  }
0x4: {  	_ = 	snop  }
0x5: {  	_ = 	snop  }
0x6: {  	_ = 	snop  }
0x7: {  	_ = 	snop  }
__scs_overlays_trampoline_lowered:
0x8: {  	[smem:$0x3FAC] =	sst s0  }
0x9: {  	[smem:$0x3FAD] =	sst s1  }
0xa: {  	[smem:$0x3FAE] =	sst s2  }
0xb: {  	[smem:$0x3FAF] =	sst s3  }
0xc: {  	[smem:$0x3FB0] =	sst s4  }
0xd: {  	[smem:$0x3FB1] =	sst s5  }
0xe: {  	[smem:$0x3FB2] =	sst s6  }
0xf: {  	[smem:$0x3FB3] =	sst s7  }
0x10: {  	[smem:$0x3FB4] =	sst s8  }
0x11: {  	[smem:$0x3FB5] =	sst s9;
	s0 =	simm.s32 @!p0 $0x0  }
0x12: {  	s1 =	sld [smem:$0x3F9B];
	s0 =	simm.s32 @p0 $0x1  }
0x13: {  	[smem:$0x3FB6] =	sst s0;
	s0 =	simm.s32 @!p1 $0x0  }
0x14: {  	s2 =	sld [smem:$0x3F9A];
	s0 =	simm.s32 @p1 $0x1  }
0x15: {  	[smem:$0x3FB7] =	sst s0;
	s0 =	simm.s32 @!p2 $0x0  }
0x16: {  	s3 =	sld [smem:$0x3FDB];
	s0 =	simm.s32 @p2 $0x1  }
0x17: {  	s4 =	simm.s32 $0x1BF5;
	[smem:$0x3FB9] =	sst s0  }
0x18: {  	s0 =	sld [smem:$0x3F9C];
	_ =	swait.ge [sflag:s4], $0x0  }
0x19: {  	s7 =	sld [smem:$0x3F9D]  }
0x1a: {  	s8 =	sadd.s32 $0xFFFFE003, lr  }
0x1b: {  	s9 =	sadd.s32 $0xFFFFFEF7, lr;
	s5 =	simm.s32 $0xFFFFFFFF;
	p2 =	slt.u32 s8, $0xFFFFF086  }
0x1c: {  	p1 =	slt.u32 s9, $0xF7A;
	s5 =	simm.s32 @!p2 $0x0  }
0x1d: {  	s5 =	simm.s32 @p1 $0x1;
	p0 =	seq.s32 s7, s2  }
0x1e: {  	s7 =	smul.u32 @!p0 $0xF7A, s2;
	p2 =	seq.s32 @!p0 s5, $0x0  }
0x1f: {  	s9 =	smul.u32 $0xF7A, s1;
	s8 =	simm.s32 @!p0 $0x1BF5;
	p2 =	por !p2, p0  }
0x20: {  	[sflag:s8] =	ssyncset.s32 @!p0 $0xFFFFF086;
	s6 =	sadd.s32 @!p0 s3, s7;
	s7 =	simm.s32 @!p0 $0x108  }
0x21: {  	s3 =	sadd.s32 s3, s9;
	s6 =	sadd.s32 @!p0 $0x88, s6;
	s7 =	simm.s32 @p2 $0x1082  }
0x22: {  	[simem:s7], [sflag:s8] =	dma.local @!p0 [hbm:s6], $0xF7A  }
0x23: {  	s9 =	sor.u32 $0xD0000000, s2;
	s6 =	simm.s32 $0x108;
	_ =	swait.ge @!p0 [sflag:s8], $0x0  }
0x24: {  	s3 =	sadd.s32 $0x88, s3;
	s6 =	simm.s32 @!p1 $0x1082;
	[sflag:s4] =	ssyncset.s32 $0xFFFFF086  }
0x25: {  	[simem:s6], [sflag:s4] =	dma.local [hbm:s3], $0xF7A  }
0x26: {  	[smem:$0x3F9D] =	sst s1;
	(tag) =	ssettag s2;
	_ =	strace s9  }
0x27: {  	s1 =	sld [smem:$0x3FAD]  }
0x28: {  	s2 =	sld [smem:$0x3FAE]  }
0x29: {  	s4 =	sld [smem:$0x3FB0]  }
0x2a: {  	p0 =	seq.s32 s5, $0x0;
	s5 =	sld [smem:$0x3FB1]  }
0x2b: {  	s6 =	sld [smem:$0x3FB2]  }
0x2c: {  	s7 =	sld [smem:$0x3FB3]  }
0x2d: {  	s3 =	simm.s32 $0x108;
	s8 =	sld [smem:$0x3FB4]  }
0x2e: {  	s3 =	simm.s32 @!p0 $0x1082;
	s9 =	sld [smem:$0x3FB5]  }
0x2f: {  	lr =	sadd.s32 s0, s3;
	s0 =	sld [smem:$0x3FAC]  }
0x30: {  	s3 =	sld [smem:$0x3FAF]  }
0x31: {  	[smem:$0x3FB8] =	sst s10  }
0x32: {  	s10 =	sld [smem:$0x3FB6];
	_ =	sdelay $0x3  }
0x33: {  	p0 =	seq.s32 s10, $0x1;
	s10 =	sld [smem:$0x3FB8];
	_ =	sdelay $0x3  }
0x34: {  	[smem:$0x3FB8] =	sst s10  }
0x35: {  	s10 =	sld [smem:$0x3FB7];
	_ =	sdelay $0x3  }
0x36: {  	p1 =	seq.s32 s10, $0x1;
	s10 =	sld [smem:$0x3FB8];
	_ =	sdelay $0x3  }
0x37: {  	[smem:$0x3FB8] =	sst s10  }
0x38: {  	s10 =	sld [smem:$0x3FB9]  }
0x39: {  	_ = 	snop;
	(pc) =	sbr.ind lr, $3  }
0x3a: {  	_ = 	snop  }
0x3b: {  	_ = 	snop  }
0x3c: {  	p2 =	seq.s32 s10, $0x1;
	s10 =	sld [smem:$0x3FB8]  }
0x3d: {  	_ =	shalt  }
0x3e: {  	_ =	shalt  }
0x3f: {  	_ =	shalt  }
0x40: {  	_ =	shalt  }
0x41: {  	_ =	shalt  }
0x42: {  	_ =	shalt  }
0x43: {  	_ =	shalt  }
0x44: {  	_ =	shalt  }
0x45: {  	_ =	shalt  }
0x46: {  	_ =	shalt  }
0x47: {  	_ =	shalt  }
0x48: {  	_ =	shalt  }
0x49: {  	_ =	shalt  }
0x4a: {  	_ =	shalt  }
0x4b: {  	_ =	shalt  }
0x4c: {  	_ =	shalt  }
0x4d: {  	_ =	shalt  }
0x4e: {  	_ =	shalt  }
0x4f: {  	_ =	shalt  }
0x50: {  	_ =	shalt  }
0x51: {  	_ =	shalt  }
0x52: {  	_ =	shalt  }
0x53: {  	_ =	shalt  }
0x54: {  	_ =	shalt  }
0x55: {  	_ =	shalt  }
0x56: {  	_ =	shalt  }
0x57: {  	_ =	shalt  }
0x58: {  	_ =	shalt  }
0x59: {  	_ =	shalt  }
0x5a: {  	_ =	shalt  }
0x5b: {  	_ =	shalt  }
0x5c: {  	_ =	shalt  }
0x5d: {  	_ =	shalt  }
0x5e: {  	_ =	shalt  }
0x5f: {  	_ =	shalt  }
0x60: {  	_ =	shalt  }
0x61: {  	_ =	shalt  }
0x62: {  	_ =	shalt  }
0x63: {  	_ =	shalt  }
0x64: {  	_ =	shalt  }
0x65: {  	_ =	shalt  }
0x66: {  	_ =	shalt  }
0x67: {  	_ =	shalt  }
0x68: {  	_ =	shalt  }
0x69: {  	_ =	shalt  }
0x6a: {  	_ =	shalt  }
0x6b: {  	_ =	shalt  }
0x6c: {  	_ =	shalt  }
0x6d: {  	_ =	shalt  }
0x6e: {  	_ =	shalt  }
0x6f: {  	_ =	shalt  }
0x70: {  	_ =	shalt  }
0x71: {  	_ =	shalt  }
0x72: {  	_ =	shalt  }
0x73: {  	_ =	shalt  }
0x74: {  	_ =	shalt  }
0x75: {  	_ =	shalt  }
0x76: {  	_ =	shalt  }
0x77: {  	_ =	shalt  }
0x78: {  	_ =	shalt  }
0x79: {  	_ =	shalt  }
0x7a: {  	_ =	shalt  }
0x7b: {  	_ =	shalt  }
0x7c: {  	_ =	shalt  }
0x7d: {  	_ =	shalt  }
0x7e: {  	_ =	shalt  }
0x7f: {  	_ =	shalt  }
0x80: {  	_ =	shalt  }
0x81: {  	_ =	shalt  }
0x82: {  	_ =	shalt  }
0x83: {  	_ =	shalt  }
0x84: {  	_ =	shalt  }
0x85: {  	_ =	shalt  }
0x86: {  	_ =	shalt  }
0x87: {  	_ =	shalt  }
.Lfunc_end0:
.L_simem_size_0:
called_computation.1_lowered:
.L_overlay_start_0:
0x88: {  	s2 =	sld [smem:$0x3FD9]  }
0x89: {  	s3 =	sld [smem:$0x3FFE];
	_ =	sdelay $0x1  }
0x8a: {  	s1 =	srdreg.scid  }
0x8b: {  	s0 =	sand.u32 $0x1, s1  }
0x8c: {  	s14 =	sshll.u32 s0, $0xA;
	s2 =	sadd.s32 s3, s2  }
0x8d: {  	s2 =	sadd.s32 s2, s14  }
0x8e: {  	[smem:$0x3FC4] =	sst s2  }
0x8f: {  	_ = 	snop  }
0x90: {  	s2 =	sld [smem:$0x3FD0];
	_ =	sdelay $0x2  }
0x91: {  	s15 =	simm.s32 $0xA;
	s4 =	simm.s32 $0x10  }
0x92: {  	[smem:s4], [sflag:s15] =	dma.local [hbm:s2], $0x1  }
0x93: {  	_ =	swait.eq [sflag:s15], $0x1  }
0x94: {  	[sflag:s15] =	ssyncset.done $0x0  }
0x95: {  	[sflag:s15] =	ssyncadd.s32 $0xFFFFFFFF  }
0x96: {  	s16 =	sld [smem:$0x10];
	(tm) =	ssettm $0x1  }
0x97: {  	s17 =	sld [smem:$0x3FFB];
	_ =	sdelay $0x3  }
0x98: {  	_ =	strace s17  }
0x99: {  	s3 =	sld [smem:$0x3FFC];
	_ =	sdelay $0x3  }
0x9a: {  	_ =	strace s3  }
0x9b: {  	s3 =	sld [smem:$0x3FFD];
	_ =	sdelay $0x3  }
0x9c: {  	_ =	strace s3  }
0x9d: {  	_ =	strace $0x8FFFFFFF  }
0x9e: {  	s18 =	sld [smem:$0x3FDB];
	_ =	sdelay $0x1  }
0x9f: {  	s19 =	simm.s32 $_scs_section_size  }
0xa0: {  	s5 =	simm.s32 $_size__tile_overlayer_lowered;
	s6 =	simm.s32 $_tile_overlayer_lowered  }
0xa1: {  	s22 =	simm.s32 $0x1BFF;
	s21 =	sshll.u32 s6, $0x1;
	s3 =	sadd.s32 s19, s18  }
0xa2: {  	s7 =	simm.s32 $0x0;
	s20 =	sshll.u32 s5, $0x1;
	s5 =	sadd.s32 s21, s3  }
0xa3: {  	[timem:s7], [sflag:s22] =	dma.local [hbm:s5], s20  }
0xa4: {  	_ =	swait.ge [sflag:s22], s20  }
0xa5: {  	s4 =	ssub.s32 $0x0, s20;
	[sflag:s22] =	ssyncset.done $0x0  }
0xa6: {  	[sflag:s22] =	ssyncadd.s32 s4;
	_ =	sdelay $0x1  }
0xa7: {  	s23 =	simm.s32 $0x1B8B  }
0xa8: {  	_ =	swait.ge [sflag:s23], $0x1  }
0xa9: {  	[sflag:s23] =	ssyncset.done $0x0  }
0xaa: {  	s25 =	simm.s32 $0x1B8E;
	s24 =	sld [smem:$0x3FFE];
	[sflag:s23] =	ssyncadd.s32 $0xFFFFFFFF  }
0xab: {  	s26 =	simm.s32 $execute0_lowered;
	[smem:$0x3FD2] =	sst s25  }
0xac: {  	s5 =	sshll.u32 s26, $0x1;
	_ =	strace $0x80000046;
	[dreg:$0x1] =	wrdreg $0xFFFFFFFF  }
0xad: {  	s28 =	simm.s32 $_size_execute0_lowered;
	s3 =	sadd.s32 s3, s5;
	[dreg:$0x0] =	wrdreg $0x0  }
0xae: {  	s5 =	sshll.u32 s28, $0x1;
	[dreg:$0x2] =	wrdreg s3  }
0xaf: {  	[dreg:$0x3] =	wrdreg s5  }
0xb0: {  	[dreg:$0x4] =	wrdreg $0xC0  }
0xb1: {  	_ =	task [dreg:s7], $0x5FFFF  }
0xb2: {  	[dreg:$0x1] =	wrdreg $0xFFFFFFFF  }
0xb3: {  	[dreg:$0x0] =	wrdreg $0x60  }
0xb4: {  	[dreg:$0x2] =	wrdreg s24  }
0xb5: {  	[dreg:$0x3] =	wrdreg s16  }
0xb6: {  	[dreg:$0x4] =	wrdreg $0x9  }
0xb7: {  	_ =	task.clear_ibuf [dreg:s7], $0x5FFFF;
	_ =	strace $0x90000046  }
0xb8: {  	s29 =	simm.s32 $0x9;
	_ =	strace $0x80000048  }
0xb9: {  	_ =	swait.ge [sflag:s29], $0x1  }
0xba: {  	[sflag:s29] =	ssyncadd.s32 $0xFFFFFFFF  }
0xbb: {  	_ =	strace $0x90000048  }
0xbc: {  	_ =	sfence  }
0xbd: {  	s30 =	sld [smem:$0x0];
	_ =	sdelay $0x2  }
0xbe: {  	s31 =	sshll.u32 s1, $0xD;
	s1 =	sshrl.u32 s1, $0x2  }
0xbf: {  	s3 =	sand.u32 $0x4000, s31;
	s1 =	sadd.s32 s1, s30  }
0xc0: {  	s0 =	sor.u32 s3, s0;
	s1 =	sshll.u32 s1, $0x11  }
0xc1: {  	s0 =	sor.u32 s1, s0  }
0xc2: {  	s0 =	sadd.s32 $0x8F2B, s0  }
0xc3: {  	[sflag:s0] =	ssyncadd.remote.s32 $0x1  }
0xc4: {  	_ =	sfence.sel $0xFFFF  }
0xc5: {  	[dreg:$0x0] =	wrdreg $0xFFFFFFFF;
	(pc) =	sbr.abs _section_cstart, $3  }
0xc6: {  	[dreg:$0x1] =	wrdreg $0xFFFFFFFF  }
0xc7: {  	_ =	task.clear_ibuf [dreg:s7], $0x2FFFF;
	_ =	strace $0x9FFFFFFF  }
0xc8: {  	(tm) =	ssettm $0x7FFFFFFF  }
0xc9: {  	_ =	shalt  }
tec
execute0_lowered:
.L_overlay_start_1:
0x0: {  	(tag) =	ssettag $0x1  }
0x1: {  	s0 =	rddreg [dreg:$0x0];
	s2 =	srdreg.scid  }
0x2: {  	s1 =	rddreg [dreg:$0x1];
	s4 =	stileid.u32;
	s3 =	sand.u32 $0x1, s2  }
0x3: {  	s2 =	simm.s32 $0x0;
	s4 =	sshll.u32 s4, $0x2;
	s22 =	sadd.s32 $0x2E00, s0  }
0x4: {  	s7 =	sadd.s32 $0x1400, s0;
	s25 =	sadd.s32 $0x12A00, s0;
	s0 =	sadd.s32 $0x12600, s0  }
0x5: {  	s5 =	sshll.u32 s3, $0x1;
	[smem:$0x7FF] =	sst s2;
	s3 =	ssub.s32 $0x2, s3  }
0x6: {  	s4 =	sor.u32 s5, s4;
	_ =	strace $0x80000047;
	[dreg:$0x3] =	wrdreg s7  }
0x7: {  	[dreg:$0x4] =	wrdreg s25;
	s26 =	sshrl.u32 s3, $0x1;
	s6 =	smul.u32 $0x8A840, s4  }
0x8: {  	s8 =	smul.u32 $0x3D9, s4;
	s9 =	ssub.s32 s3, s26;
	s26 =	sor.u32 $0x1, s4  }
0x9: {  	[dreg:$0x5] =	wrdreg s0;
	s5 =	simm.s32 $0x1;
	s4 =	smul.u32 $0x8A840, s26  }
0xa: {  	s3 =	smul.u32 $0x3D9, s26;
	s6 =	sshrl.u32 s6, $0x3;
	s23 =	sadd.s32 s22, s8  }
0xb: {  	s7 =	simm.s32 $0x0;
	s6 =	sadd.s32 s1, s6;
	[dreg:$0x6] =	wrdreg s23  }
0xc: {  	s4 =	sshrl.u32 s4, $0x3;
	s19 =	sadd.s32 s22, s3;
	s3 =	simm.s32 $0x2  }
0xd: {  	s24 =	sadd.s32 $0x1716, s6;
	s25 =	sadd.s32 $0x2E2C, s6;
	s10 =	sadd.s32 $0x4542, s6  }
0xe: {  	s11 =	sadd.s32 $0x5C58, s6;
	s12 =	sadd.s32 $0x736E, s6;
	s13 =	sadd.s32 $0x8A84, s6  }
0xf: {  	s14 =	sadd.s32 $0xA19A, s6;
	s15 =	sadd.s32 $0xB8B0, s6;
	s16 =	sadd.s32 $0xCFC6, s6  }
0x10: {  	s17 =	sadd.s32 $0xE6DC, s6;
	s18 =	sadd.s32 $0xFDF2, s6;
	[dreg:$0x7] =	wrdreg s24  }
0x11: {  	s20 =	sadd.s32 s1, s4;
	s4 =	simm.s32 $0xB8B0;
	[dreg:$0x8] =	wrdreg s25  }
0x12: {  	s21 =	sadd.s32 $0x1716, s20;
	s22 =	sadd.s32 $0x2E2C, s20;
	s23 =	sadd.s32 $0x4542, s20  }
0x13: {  	s24 =	sadd.s32 $0x5C58, s20;
	s25 =	smax.u32 s9, $0x1;
	s26 =	sadd.s32 $0x736E, s20  }
0x14: {  	s28 =	sadd.s32 $0x8A84, s20;
	s29 =	sadd.s32 $0xA19A, s20;
	s30 =	sadd.s32 $0xB8B0, s20  }
0x15: {  	s31 =	sadd.s32 $0xCFC6, s20;
	s0 =	sadd.s32 $0xE6DC, s20;
	s1 =	sadd.s32 $0xFDF2, s20  }
.LBB2_1:
0x16: {  	s8 =	rddreg [dreg:$0x3]  }
0x17: {  	[tilespmem:s2], [sflag:$0x2] =	stream.linear.gather [hbm4b:s8+s2], $0xB8B0, $0x38;
	[tilespmem:$0x11520] =	vst v63  }
0x18: {  	_ =	swait.ge [sflag:s3], $0xB8B0  }
0x19: {  	[sflag:s3] =	ssyncset.done $0x0  }
0x1a: {  	s9 =	simm.s32 $0xD780;
	s8 =	rddreg [dreg:$0x4];
	[sflag:s3] =	ssyncadd.s32 $0xFFFF4750  }
0x1b: {  	[tilespmem:s9], [sflag:$0x2] =	stream.linear.gather [hbm4b:s8+s2], $0x1ED0, $0x38;
	[tilespmem:$0x11520] =	vst v63  }
0x1c: {  	_ =	swait.ge [sflag:s3], $0x1ED0  }
0x1d: {  	[sflag:s3] =	ssyncset.done $0x0  }
0x1e: {  	s9 =	simm.s32 $0xF650;
	s8 =	rddreg [dreg:$0x5];
	[sflag:s3] =	ssyncadd.s32 $0xFFFFE130  }
0x1f: {  	[tilespmem:s9], [sflag:$0x2] =	stream.linear.gather [hbm4b:s8+s2], $0x1ED0, $0x38;
	[tilespmem:$0x11520] =	vst v63  }
0x20: {  	_ =	swait.ge [sflag:s3], $0x1ED0  }
0x21: {  	[sflag:s3] =	ssyncset.done $0x0  }
0x22: {  	s9 =	rddreg [dreg:$0x6];
	[sflag:s3] =	ssyncadd.s32 $0xFFFFE130  }
0x23: {  	[tilespmem:s4], [sflag:$0x2] =	stream.linear.gather [hbm4b:s9+s2], $0x1EC8, $0x38;
	[tilespmem:$0x11520] =	vst v63  }
0x24: {  	_ =	swait.ge [sflag:s3], $0x1EC8  }
0x25: {  	[sflag:s3] =	ssyncset.done $0x0  }
0x26: {  	s8 =	simm.s32 $0x0;
	s9 =	simm.s32 $0x40;
	[sflag:s3] =	ssyncadd.s32 $0xFFFFE138  }
.LBB2_2:
0x27: {  	p0 =	sne.s32 s9, $0x7AC0;
	v0 =	vld [tilespmem:s8+$0xD780]  }
0x28: {  	v1 =	vld [tilespmem:s8+$0xF650];
	_ =	sdelay $0x3  }
0x29: {  	v0 =	vmul.u32 $0xF0, v0  }
0x2a: {  	v2 =	vand.u32 $0xFFFFFFF8, v1  }
0x2b: {  	v1 =	vand.u32 $0x7, v1;
	v0 =	vadd.s32 v0, v2  }
0x2c: {  	v2 =	vld [tilespmem:s8+$0xB8B0];
	v0 =	vor.u32 v1, v0  }
.Ltmp0:
0x2d: {  	(pc) =	sbr.rel @p0 .LBB2_2-.Ltmp0, $2  }
0x2e: {  	_ =	sdelay $0x2  }
0x2f: {  	s8 =	sshra.s32 s9, $0x2;
	s9 =	sadd.s32 $0x40, s9;
	[tilespmem:v0+s2+$0x0] =	vst.idx.msk $0xffff, v2  }
0x30: {  	v0 =	vld [tilespmem:s8+$0xD780]  }
0x31: {  	v1 =	vld [tilespmem:s8+$0xF650];
	_ =	sdelay $0x3  }
0x32: {  	v0 =	vmul.u32 $0xF0, v0  }
0x33: {  	v2 =	vand.u32 $0xFFFFFFF8, v1  }
0x34: {  	v1 =	vand.u32 $0x7, v1;
	v0 =	vadd.s32 v0, v2  }
0x35: {  	v60 =	vld [tilespmem:s8+$0xB8B0];
	v0 =	vor.u32 v1, v0;
	_ =	sdelay $0x4  }
0x36: {  	[tilespmem:v0+s2+$0x0] =	vst.idx.msk $0xffff, v60  }
0x37: {  	v0 =	vld [tilespmem:$0xF640]  }
0x38: {  	v61 =	vld [tilespmem:$0x11510];
	_ =	sdelay $0x3  }
0x39: {  	v0 =	vmul.u32 $0xF0, v0  }
0x3a: {  	v62 =	vand.u32 $0xFFFFFFF8, v61  }
0x3b: {  	v1 =	vand.u32 $0x7, v61;
	v0 =	vadd.s32 v0, v62  }
0x3c: {  	v63 =	vld [tilespmem:$0xD770];
	v0 =	vor.u32 v1, v0;
	_ =	sdelay $0x3  }
0x3d: {  	s8 =	simm.s32 $0x0  }
0x3e: {  	[tilespmem:v0+s8+$0x0] =	vst.idx.msk $0xff, v63  }
0x3f: {  	[hbm4b:s6+s8] =	stream.linear.scatter [tilespmem:s8], [sflag:$0x1], $0xB8B0, $0x38;
	[tilespmem:$0x11520] =	vst v63  }
0x40: {  	s9 =	rddreg [dreg:$0x7]  }
0x41: {  	[hbm4b:s9+s8] =	stream.linear.scatter [tilespmem:s8], [sflag:$0x1], $0xB8B0, $0x38;
	[tilespmem:$0x11520] =	vst v63  }
0x42: {  	s9 =	rddreg [dreg:$0x8]  }
0x43: {  	[hbm4b:s9+s8] =	stream.linear.scatter [tilespmem:s8], [sflag:$0x1], $0xB8B0, $0x38;
	[tilespmem:$0x11520] =	vst v63  }
0x44: {  	_ = 	snop  }
0x45: {  	[hbm4b:s10+s8] =	stream.linear.scatter [tilespmem:s8], [sflag:$0x1], $0xB8B0, $0x38;
	[tilespmem:$0x11520] =	vst v63  }
0x46: {  	_ = 	snop  }
0x47: {  	[hbm4b:s11+s8] =	stream.linear.scatter [tilespmem:s8], [sflag:$0x1], $0xB8B0, $0x38;
	[tilespmem:$0x11520] =	vst v63  }
0x48: {  	_ = 	snop  }
0x49: {  	[hbm4b:s12+s8] =	stream.linear.scatter [tilespmem:s8], [sflag:$0x1], $0xB8B0, $0x38;
	[tilespmem:$0x11520] =	vst v63  }
0x4a: {  	_ = 	snop  }
0x4b: {  	[hbm4b:s13+s8] =	stream.linear.scatter [tilespmem:s8], [sflag:$0x1], $0xB8B0, $0x38;
	[tilespmem:$0x11520] =	vst v63  }
0x4c: {  	_ = 	snop  }
0x4d: {  	[hbm4b:s14+s8] =	stream.linear.scatter [tilespmem:s8], [sflag:$0x1], $0xB8B0, $0x38;
	[tilespmem:$0x11520] =	vst v63  }
0x4e: {  	_ = 	snop  }
0x4f: {  	[hbm4b:s15+s8] =	stream.linear.scatter [tilespmem:s8], [sflag:$0x1], $0xB8B0, $0x38;
	[tilespmem:$0x11520] =	vst v63  }
0x50: {  	_ = 	snop  }
0x51: {  	[hbm4b:s16+s8] =	stream.linear.scatter [tilespmem:s8], [sflag:$0x1], $0xB8B0, $0x38;
	[tilespmem:$0x11520] =	vst v63  }
0x52: {  	_ = 	snop  }
0x53: {  	[hbm4b:s17+s8] =	stream.linear.scatter [tilespmem:s8], [sflag:$0x1], $0xB8B0, $0x38;
	[tilespmem:$0x11520] =	vst v63  }
0x54: {  	_ = 	snop  }
0x55: {  	[hbm4b:s18+s8] =	stream.linear.scatter [tilespmem:s8], [sflag:$0x1], $0xB8B0, $0x38;
	[tilespmem:$0x11520] =	vst v63  }
0x56: {  	_ =	swait.ge [sflag:s5], $0xB8B0  }
0x57: {  	[sflag:s5] =	ssyncset.done $0x0  }
0x58: {  	[sflag:s5] =	ssyncadd.s32 $0xFFFF4750  }
0x59: {  	_ =	swait.ge [sflag:s5], $0xB8B0  }
0x5a: {  	[sflag:s5] =	ssyncset.done $0x0  }
0x5b: {  	[sflag:s5] =	ssyncadd.s32 $0xFFFF4750  }
0x5c: {  	_ =	swait.ge [sflag:s5], $0xB8B0  }
0x5d: {  	[sflag:s5] =	ssyncset.done $0x0  }
0x5e: {  	[sflag:s5] =	ssyncadd.s32 $0xFFFF4750  }
0x5f: {  	_ =	swait.ge [sflag:s5], $0xB8B0  }
0x60: {  	[sflag:s5] =	ssyncset.done $0x0  }
0x61: {  	[sflag:s5] =	ssyncadd.s32 $0xFFFF4750  }
0x62: {  	_ =	swait.ge [sflag:s5], $0xB8B0  }
0x63: {  	[sflag:s5] =	ssyncset.done $0x0  }
0x64: {  	[sflag:s5] =	ssyncadd.s32 $0xFFFF4750  }
0x65: {  	_ =	swait.ge [sflag:s5], $0xB8B0  }
0x66: {  	[sflag:s5] =	ssyncset.done $0x0  }
0x67: {  	[sflag:s5] =	ssyncadd.s32 $0xFFFF4750  }
0x68: {  	_ =	swait.ge [sflag:s5], $0xB8B0  }
0x69: {  	[sflag:s5] =	ssyncset.done $0x0  }
0x6a: {  	[sflag:s5] =	ssyncadd.s32 $0xFFFF4750  }
0x6b: {  	_ =	swait.ge [sflag:s5], $0xB8B0  }
0x6c: {  	[sflag:s5] =	ssyncset.done $0x0  }
0x6d: {  	[sflag:s5] =	ssyncadd.s32 $0xFFFF4750  }
0x6e: {  	_ =	swait.ge [sflag:s5], $0xB8B0  }
0x6f: {  	[sflag:s5] =	ssyncset.done $0x0  }
0x70: {  	[sflag:s5] =	ssyncadd.s32 $0xFFFF4750  }
0x71: {  	_ =	swait.ge [sflag:s5], $0xB8B0  }
0x72: {  	[sflag:s5] =	ssyncset.done $0x0  }
0x73: {  	[sflag:s5] =	ssyncadd.s32 $0xFFFF4750  }
0x74: {  	_ =	swait.ge [sflag:s5], $0xB8B0  }
0x75: {  	[sflag:s5] =	ssyncset.done $0x0  }
0x76: {  	[sflag:s5] =	ssyncadd.s32 $0xFFFF4750  }
0x77: {  	_ =	swait.ge [sflag:s5], $0xB8B0  }
0x78: {  	[sflag:s5] =	ssyncset.done $0x0  }
0x79: {  	[sflag:s5] =	ssyncadd.s32 $0xFFFF4750  }
0x7a: {  	[tilespmem:s4], [sflag:$0x2] =	stream.linear.gather [hbm4b:s19+s8], $0x1EC8, $0x38;
	[tilespmem:$0x11520] =	vst v63  }
0x7b: {  	_ =	swait.ge [sflag:s3], $0x1EC8  }
0x7c: {  	[sflag:s3] =	ssyncset.done $0x0  }
0x7d: {  	s9 =	simm.s32 $0x40;
	s8 =	simm.s32 $0x0;
	[sflag:s3] =	ssyncadd.s32 $0xFFFFE138  }
.LBB2_4:
0x7e: {  	p0 =	sne.s32 s9, $0x7AC0;
	v0 =	vld [tilespmem:s8+$0xD780]  }
0x7f: {  	v1 =	vld [tilespmem:s8+$0xF650];
	_ =	sdelay $0x3  }
0x80: {  	v0 =	vmul.u32 $0xF0, v0  }
0x81: {  	v2 =	vand.u32 $0xFFFFFFF8, v1  }
0x82: {  	v1 =	vand.u32 $0x7, v1;
	v0 =	vadd.s32 v0, v2  }
0x83: {  	v2 =	vld [tilespmem:s8+$0xB8B0];
	v0 =	vor.u32 v1, v0  }
.Ltmp1:
0x84: {  	(pc) =	sbr.rel @p0 .LBB2_4-.Ltmp1, $2  }
0x85: {  	_ =	sdelay $0x2  }
0x86: {  	s8 =	sshra.s32 s9, $0x2;
	s9 =	sadd.s32 $0x40, s9;
	[tilespmem:v0+s2+$0x0] =	vst.idx.msk $0xffff, v2  }
0x87: {  	v0 =	vld [tilespmem:s8+$0xD780]  }
0x88: {  	v1 =	vld [tilespmem:s8+$0xF650];
	_ =	sdelay $0x3  }
0x89: {  	v0 =	vmul.u32 $0xF0, v0  }
0x8a: {  	v2 =	vand.u32 $0xFFFFFFF8, v1  }
0x8b: {  	v1 =	vand.u32 $0x7, v1;
	v0 =	vadd.s32 v0, v2  }
0x8c: {  	v60 =	vld [tilespmem:s8+$0xB8B0];
	v0 =	vor.u32 v1, v0;
	_ =	sdelay $0x4  }
0x8d: {  	[tilespmem:v0+s2+$0x0] =	vst.idx.msk $0xffff, v60  }
0x8e: {  	v0 =	vld [tilespmem:$0xF640]  }
0x8f: {  	v61 =	vld [tilespmem:$0x11510];
	_ =	sdelay $0x3  }
0x90: {  	v0 =	vmul.u32 $0xF0, v0  }
0x91: {  	v62 =	vand.u32 $0xFFFFFFF8, v61  }
0x92: {  	v1 =	vand.u32 $0x7, v61;
	v0 =	vadd.s32 v0, v62  }
0x93: {  	v63 =	vld [tilespmem:$0xD770];
	v0 =	vor.u32 v1, v0;
	_ =	sdelay $0x4  }
0x94: {  	[tilespmem:v0+s2+$0x0] =	vst.idx.msk $0xff, v63  }
0x95: {  	[hbm4b:s20+s2] =	stream.linear.scatter [tilespmem:s2], [sflag:$0x1], $0xB8B0, $0x38;
	[tilespmem:$0x11520] =	vst v63  }
0x96: {  	_ = 	snop  }
0x97: {  	[hbm4b:s21+s2] =	stream.linear.scatter [tilespmem:s2], [sflag:$0x1], $0xB8B0, $0x38;
	[tilespmem:$0x11520] =	vst v63  }
0x98: {  	_ = 	snop  }
0x99: {  	[hbm4b:s22+s2] =	stream.linear.scatter [tilespmem:s2], [sflag:$0x1], $0xB8B0, $0x38;
	[tilespmem:$0x11520] =	vst v63  }
0x9a: {  	_ = 	snop  }
0x9b: {  	[hbm4b:s23+s2] =	stream.linear.scatter [tilespmem:s2], [sflag:$0x1], $0xB8B0, $0x38;
	[tilespmem:$0x11520] =	vst v63  }
0x9c: {  	_ = 	snop  }
0x9d: {  	[hbm4b:s24+s2] =	stream.linear.scatter [tilespmem:s2], [sflag:$0x1], $0xB8B0, $0x38;
	[tilespmem:$0x11520] =	vst v63  }
0x9e: {  	_ = 	snop  }
0x9f: {  	[hbm4b:s26+s2] =	stream.linear.scatter [tilespmem:s2], [sflag:$0x1], $0xB8B0, $0x38;
	[tilespmem:$0x11520] =	vst v63  }
0xa0: {  	_ = 	snop  }
0xa1: {  	[hbm4b:s28+s2] =	stream.linear.scatter [tilespmem:s2], [sflag:$0x1], $0xB8B0, $0x38;
	[tilespmem:$0x11520] =	vst v63  }
0xa2: {  	_ = 	snop  }
0xa3: {  	[hbm4b:s29+s2] =	stream.linear.scatter [tilespmem:s2], [sflag:$0x1], $0xB8B0, $0x38;
	[tilespmem:$0x11520] =	vst v63  }
0xa4: {  	_ = 	snop  }
0xa5: {  	[hbm4b:s30+s2] =	stream.linear.scatter [tilespmem:s2], [sflag:$0x1], $0xB8B0, $0x38;
	[tilespmem:$0x11520] =	vst v63  }
0xa6: {  	_ = 	snop  }
0xa7: {  	[hbm4b:s31+s2] =	stream.linear.scatter [tilespmem:s2], [sflag:$0x1], $0xB8B0, $0x38;
	[tilespmem:$0x11520] =	vst v63  }
0xa8: {  	_ = 	snop  }
0xa9: {  	[hbm4b:s0+s2] =	stream.linear.scatter [tilespmem:s2], [sflag:$0x1], $0xB8B0, $0x38;
	[tilespmem:$0x11520] =	vst v63  }
0xaa: {  	_ = 	snop  }
0xab: {  	[hbm4b:s1+s2] =	stream.linear.scatter [tilespmem:s2], [sflag:$0x1], $0xB8B0, $0x38;
	[tilespmem:$0x11520] =	vst v63  }
0xac: {  	_ =	swait.ge [sflag:s5], $0xB8B0  }
0xad: {  	[sflag:s5] =	ssyncset.done $0x0  }
0xae: {  	[sflag:s5] =	ssyncadd.s32 $0xFFFF4750  }
0xaf: {  	_ =	swait.ge [sflag:s5], $0xB8B0  }
0xb0: {  	[sflag:s5] =	ssyncset.done $0x0  }
0xb1: {  	[sflag:s5] =	ssyncadd.s32 $0xFFFF4750  }
0xb2: {  	_ =	swait.ge [sflag:s5], $0xB8B0  }
0xb3: {  	[sflag:s5] =	ssyncset.done $0x0  }
0xb4: {  	[sflag:s5] =	ssyncadd.s32 $0xFFFF4750  }
0xb5: {  	_ =	swait.ge [sflag:s5], $0xB8B0  }
0xb6: {  	[sflag:s5] =	ssyncset.done $0x0  }
0xb7: {  	[sflag:s5] =	ssyncadd.s32 $0xFFFF4750  }
0xb8: {  	_ =	swait.ge [sflag:s5], $0xB8B0  }
0xb9: {  	[sflag:s5] =	ssyncset.done $0x0  }
0xba: {  	[sflag:s5] =	ssyncadd.s32 $0xFFFF4750  }
0xbb: {  	_ =	swait.ge [sflag:s5], $0xB8B0  }
0xbc: {  	[sflag:s5] =	ssyncset.done $0x0  }
0xbd: {  	[sflag:s5] =	ssyncadd.s32 $0xFFFF4750  }
0xbe: {  	_ =	swait.ge [sflag:s5], $0xB8B0  }
0xbf: {  	[sflag:s5] =	ssyncset.done $0x0  }
0xc0: {  	[sflag:s5] =	ssyncadd.s32 $0xFFFF4750  }
0xc1: {  	_ =	swait.ge [sflag:s5], $0xB8B0  }
0xc2: {  	[sflag:s5] =	ssyncset.done $0x0  }
0xc3: {  	[sflag:s5] =	ssyncadd.s32 $0xFFFF4750  }
0xc4: {  	_ =	swait.ge [sflag:s5], $0xB8B0  }
0xc5: {  	[sflag:s5] =	ssyncset.done $0x0  }
0xc6: {  	[sflag:s5] =	ssyncadd.s32 $0xFFFF4750  }
0xc7: {  	_ =	swait.ge [sflag:s5], $0xB8B0  }
0xc8: {  	[sflag:s5] =	ssyncset.done $0x0  }
0xc9: {  	s7 =	sadd.s32 $0x1, s7;
	[sflag:s5] =	ssyncadd.s32 $0xFFFF4750  }
0xca: {  	p0 =	sne.s32 s7, s25;
	_ =	swait.ge [sflag:s5], $0xB8B0  }
.Ltmp2:
0xcb: {  	[sflag:s5] =	ssyncset.done $0x0;
	(pc) =	sbr.rel @p0 .LBB2_1-.Ltmp2, $4  }
0xcc: {  	[sflag:s5] =	ssyncadd.s32 $0xFFFF4750  }
0xcd: {  	_ =	swait.ge [sflag:s5], $0xB8B0  }
0xce: {  	[sflag:s5] =	ssyncset.done $0x0  }
0xcf: {  	[sflag:s5] =	ssyncadd.s32 $0xFFFF4750  }
0xd0: {  	_ =	sfence.sel $0x180000  }
0xd1: {  	[bflag:$0x0] =	sbarrier.arrive $0xFFFF  }
0xd2: {  	_ =	strace $0x90000047  }
0xd3: {  	s0 =	stileid.u32;
	[bflag:$0x2] =	sbarrier.arrive $0xFFFF  }
0xd4: {  	p0 =	sne.s32 s0, $0x0;
	s0 =	rddreg [dreg:$0x2]  }
0xd5: {  	s0 =	sadd.s32 @!p0 $0x100000, s0  }
0xd6: {  	[sflag:s0] =	ssyncadd.tile.s32 @!p0 $0x1;
	_ =	shalt  }
.Lfunc_end2:
_tile_overlayer_lowered:
.L_overlay_start_2:
0xd7: {  	(tag) =	ssettag $0x2  }
0xd8: {  	s0 =	rddreg [dreg:$0x0];
	s2 =	stileid.u32  }
0xd9: {  	s1 =	rddreg [dreg:$0x1];
	p0 =	sne.s32 s2, $0x0  }
0xda: {  	s3 =	rddreg [dreg:$0x2];
	[bflag:$0x3] =	sbarrier.arrive $0xFFFF;
	s2 =	simm.s32 @!p0 $0x1C02  }
0xdb: {  	[timem:s3], [sflag:s2] =	dma.local @!p0 [hbm:s0], s1  }
0xdc: {  	s0 =	simm.s32 @!p0 $0x2  }
0xdd: {  	_ =	swait.ge @!p0 [sflag:s0], s1  }
0xde: {  	s1 =	ssub.s32 @!p0 $0x0, s1;
	[sflag:s0] =	ssyncset.done @!p0 $0x0  }
0xdf: {  	[sflag:s0] =	ssyncadd.s32 @!p0 s1  }
0xe0: {  	[bflag:$0x3] =	sbarrier.arrive $0xFFFF  }
0xe1: {  	_ =	shalt  }

// kernel: sparse-core-data-format-call.cloned.1.call-start
scs
called_computation_lowered:
.L_overlay_start_0:
0x0: {  	s2 =	sld [smem:$0x3FD9]  }
0x1: {  	s3 =	sld [smem:$0x3FFE];
	_ =	sdelay $0x1  }
0x2: {  	s1 =	srdreg.scid  }
0x3: {  	s0 =	sand.u32 $0x1, s1  }
0x4: {  	s15 =	sshll.u32 s0, $0xA;
	s2 =	sadd.s32 s3, s2  }
0x5: {  	s2 =	sadd.s32 s2, s15  }
0x6: {  	[smem:$0x3FC4] =	sst s2  }
0x7: {  	_ = 	snop  }
0x8: {  	s2 =	sld [smem:$0x3FD0];
	_ =	sdelay $0x2  }
0x9: {  	s16 =	simm.s32 $0xA;
	s4 =	simm.s32 $0x10  }
0xa: {  	[smem:s4], [sflag:s16] =	dma.local [hbm:s2], $0x1  }
0xb: {  	_ =	swait.eq [sflag:s16], $0x1  }
0xc: {  	[sflag:s16] =	ssyncset.done $0x0  }
0xd: {  	[sflag:s16] =	ssyncadd.s32 $0xFFFFFFFF  }
0xe: {  	s17 =	sld [smem:$0x10];
	(tm) =	ssettm $0x1  }
0xf: {  	s18 =	sld [smem:$0x3FFB];
	_ =	sdelay $0x3  }
0x10: {  	_ =	strace s18  }
0x11: {  	s3 =	sld [smem:$0x3FFC];
	_ =	sdelay $0x3  }
0x12: {  	_ =	strace s3  }
0x13: {  	s3 =	sld [smem:$0x3FFD];
	_ =	sdelay $0x3  }
0x14: {  	_ =	strace s3  }
0x15: {  	_ =	strace $0x8FFFFFFF  }
0x16: {  	s19 =	sld [smem:$0x3FDB];
	_ =	sdelay $0x1  }
0x17: {  	s20 =	simm.s32 $_scs_section_size  }
0x18: {  	s5 =	simm.s32 $_size__tile_overlayer_lowered;
	s6 =	simm.s32 $_tile_overlayer_lowered  }
0x19: {  	s23 =	simm.s32 $0x1BFF;
	s22 =	sshll.u32 s6, $0x1;
	s3 =	sadd.s32 s20, s19  }
0x1a: {  	s7 =	simm.s32 $0x0;
	s21 =	sshll.u32 s5, $0x1;
	s5 =	sadd.s32 s22, s3  }
0x1b: {  	[timem:s7], [sflag:s23] =	dma.local [hbm:s5], s21  }
0x1c: {  	_ =	swait.ge [sflag:s23], s21  }
0x1d: {  	s4 =	ssub.s32 $0x0, s21;
	[sflag:s23] =	ssyncset.done $0x0  }
0x1e: {  	[sflag:s23] =	ssyncadd.s32 s4;
	_ =	sdelay $0x1  }
0x1f: {  	s24 =	simm.s32 $0x1B8B  }
0x20: {  	_ =	swait.ge [sflag:s24], $0x1  }
0x21: {  	[sflag:s24] =	ssyncset.done $0x0  }
0x22: {  	s26 =	simm.s32 $0x1B8E;
	s25 =	sld [smem:$0x3FFE];
	[sflag:s24] =	ssyncadd.s32 $0xFFFFFFFF  }
0x23: {  	s27 =	simm.s32 $execute0_lowered;
	[smem:$0x3FD2] =	sst s26  }
0x24: {  	s5 =	sshll.u32 s27, $0x1;
	_ =	strace $0x80000049;
	[dreg:$0x1] =	wrdreg $0xFFFFFFFF  }
0x25: {  	s28 =	simm.s32 $_size_execute0_lowered;
	s3 =	sadd.s32 s3, s5;
	[dreg:$0x0] =	wrdreg $0x0  }
0x26: {  	s5 =	sshll.u32 s28, $0x1;
	[dreg:$0x2] =	wrdreg s3  }
0x27: {  	[dreg:$0x3] =	wrdreg s5  }
0x28: {  	[dreg:$0x4] =	wrdreg $0xC0  }
0x29: {  	_ =	task [dreg:s7], $0x5FFFF  }
0x2a: {  	[dreg:$0x1] =	wrdreg $0xFFFFFFFF  }
0x2b: {  	[dreg:$0x0] =	wrdreg $0x60  }
0x2c: {  	[dreg:$0x2] =	wrdreg s25  }
0x2d: {  	[dreg:$0x3] =	wrdreg s17  }
0x2e: {  	[dreg:$0x4] =	wrdreg $0x9  }
0x2f: {  	_ =	task.clear_ibuf [dreg:s7], $0x5FFFF;
	_ =	strace $0x90000049  }
0x30: {  	s29 =	simm.s32 $0x9;
	_ =	strace $0x8000004B  }
0x31: {  	_ =	swait.ge [sflag:s29], $0x1  }
0x32: {  	[sflag:s29] =	ssyncadd.s32 $0xFFFFFFFF  }
0x33: {  	_ =	strace $0x9000004B  }
0x34: {  	_ =	sfence  }
0x35: {  	s30 =	sld [smem:$0x0];
	_ =	sdelay $0x2  }
0x36: {  	s31 =	sshll.u32 s1, $0xD;
	s1 =	sshrl.u32 s1, $0x2  }
0x37: {  	s3 =	sand.u32 $0x4000, s31;
	s1 =	sadd.s32 s1, s30  }
0x38: {  	s0 =	sor.u32 s3, s0;
	s1 =	sshll.u32 s1, $0x11  }
0x39: {  	s0 =	sor.u32 s1, s0  }
0x3a: {  	s0 =	sadd.s32 $0x8F2B, s0  }
0x3b: {  	[sflag:s0] =	ssyncadd.remote.s32 $0x1  }
0x3c: {  	_ =	sfence.sel $0xFFFF  }
0x3d: {  	[dreg:$0x0] =	wrdreg $0xFFFFFFFF;
	(pc) =	sbr.abs _section_cstart, $3  }
0x3e: {  	[dreg:$0x1] =	wrdreg $0xFFFFFFFF  }
0x3f: {  	_ =	task.clear_ibuf [dreg:s7], $0x2FFFF;
	_ =	strace $0x9FFFFFFF  }
0x40: {  	(tm) =	ssettm $0x7FFFFFFF  }
0x41: {  	_ =	shalt  }
tec
execute0_lowered:
.L_overlay_start_1:
0x0: {  	(tag) =	ssettag $0x1  }
0x1: {  	s5 =	rddreg [dreg:$0x0]  }
0x2: {  	s2 =	rddreg [dreg:$0x1]  }
0x3: {  	s1 =	stileid.u32;
	s0 =	rddreg [dreg:$0x2]  }
0x4: {  	_ =	strace $0x8000004A;
	s4 =	srdreg.scid;
	s8 =	simm.s32 $0x2  }
0x5: {  	s19 =	simm.s32 $0x0;
	s10 =	simm.s32 $0x400;
	s11 =	simm.s32 $0x800  }
0x6: {  	s21 =	simm.s32 $0x0;
	s20 =	simm.s32 $0x0;
	s22 =	simm.s32 $0x0  }
0x7: {  	s12 =	simm.s32 $0x0;
	s13 =	simm.s32 $0x0;
	s14 =	simm.s32 $0x0  }
0x8: {  	s16 =	simm.s32 $0x0;
	s17 =	simm.s32 $0x0;
	s3 =	sshll.u32 s1, $0x1  }
.Ltmp0:
0x9: {  	s18 =	simm.s32 $0x0;
	s6 =	ssub.s32 $0xC4, s3;
	(pc) =	sbr.rel .LBB1_1-.Ltmp0, $4  }
0xa: {  	s7 =	sshll.u32 s4, $0x7;
	s4 =	simm.s32 $0x1;
	s6 =	sshrl.u32 s6, $0x5  }
0xb: {  	s5 =	sadd.s32 $0x2E00, s5;
	[sflag:s4] =	ssyncpa.u1 $0x0;
	s9 =	smul.u32 $0xC, s6  }
0xc: {  	s15 =	smov.u32 s3;
	[sflag:s8] =	ssyncpa.u1 $0x0;
	s6 =	sand.u32 $0x80, s7  }
0xd: {  	s8 =	sshll.u32 s6, $0x3;
	s7 =	sadd.s32 $0xC, s9;
	s9 =	sadd.s32 $0xD, s9  }
.LBB1_7:
0xe: {  	p0 =	slt.u32 s18, $0x2  }
0xf: {  	p1 =	sgt.s32 @!p0 s21, $0xB  }
0x10: {  	s22 =	smov.u32 s21;
	s23 =	sshra.s32 @!p0 s21, $0x1F;
	p1 =	por !p1, p0  }
0x11: {  	s21 =	sand.u32 @!p0 s23, s21;
	s22 =	simm.s32 @p1 $0xB  }
0x12: {  	s21 =	ssub.s32 @!p0 s22, s21  }
0x13: {  	s23 =	sshra.s32 @!p0 s19, $0x1F;
	p1 =	sgt.s32 @!p0 s19, $0xC3;
	s22 =	sadd.s32 @!p0 $0xFFFFFFF5, s21  }
0x14: {  	p1 =	por !p1, p0;
	p2 =	sgt.s32 @!p0 s22, $0x0;
	s22 =	smov.u32 s19  }
0x15: {  	s19 =	sand.u32 @!p0 s23, s19;
	s22 =	simm.s32 @p1 $0xC3  }
0x16: {  	s19 =	ssub.s32 @!p0 s22, s19;
	s22 =	ssub.s32 @!p0 $0x0, s20  }
0x17: {  	s21 =	ssub.s32 @!p0 $0xC, s21;
	p1 =	por !p2, p0;
	s20 =	smin.u32 @!p0 s20, s22  }
0x18: {  	s21 =	simm.s32 @!p1 $0x0;
	p2 =	sgt.s32 @!p0 s20, $0x3F;
	s20 =	sshll.u32 @!p0 s20, $0x7  }
0x19: {  	s23 =	sadd.s32 @!p0 $0xFFFFFF3D, s19;
	s20 =	ssub.s32 @!p0 $0x2000, s20;
	p2 =	por !p2, p0  }
0x1a: {  	p1 =	sgt.s32 @!p0 s23, $0x1;
	s23 =	sadd.s32 $0x20, s15;
	s20 =	simm.s32 @!p2 $0x0  }
0x1b: {  	p2 =	sgt.s32 s23, $0xC4;
	s20 =	smul.u32 @!p0 s21, s20;
	s21 =	simm.s32 $0x1  }
0x1c: {  	s19 =	ssub.s32 @!p0 $0xC5, s19;
	p1 =	por !p1, p0;
	s21 =	simm.s32 @!p2 $0x0  }
0x1d: {  	s25 =	smov.u32 s17;
	s19 =	simm.s32 @!p1 $0x0;
	s24 =	sadd.s32 s21, s16  }
0x1e: {  	s19 =	smul.u32 @!p0 s19, s20;
	s20 =	sadd.s32 $0x40, s17;
	p1 =	sgt.s32 s24, $0xB  }
0x1f: {  	s22 =	simm.s32 @!p0 $0x2;
	s23 =	smov.u32 @p2 s3;
	s25 =	smov.u32 @p1 s20  }
0x20: {  	s21 =	smov.u32 s13;
	s24 =	simm.s32 @p1 $0x0;
	p1 =	sgt.s32 s25, $0x3F  }
0x21: {  	s13 =	smov.u32 s16;
	s25 =	simm.s32 @p1 $0x0;
	p1 =	sne.s32 s18, s9  }
.Ltmp1:
0x22: {  	s19 =	sand.u32 @!p0 $0x3FFFFF80, s19;
	s20 =	smov.u32 s14;
	(pc) =	sbr.rel @!p1 .LBB1_8-.Ltmp1, $4  }
0x23: {  	s14 =	smov.u32 s17;
	_ =	swait.ge @!p0 [sflag:s22], s19;
	s26 =	ssub.s32 @!p0 $0x0, s19  }
0x24: {  	s19 =	smov.u32 s12;
	s12 =	smov.u32 s15;
	s15 =	smov.u32 s23  }
0x25: {  	s16 =	smov.u32 s24;
	[sflag:s22] =	ssyncset.done @!p0 $0x0;
	s18 =	sadd.s32 $0x1, s18  }
0x26: {  	[sflag:s22] =	ssyncadd.s32 @!p0 s26;
	s22 =	smov.u32 s6;
	s17 =	smov.u32 s25  }
.LBB1_1:
0x27: {  	p0 =	sge.u32 s18, s7  }
0x28: {  	s23 =	sshll.u32 @!p0 s15, $0x8  }
0x29: {  	s24 =	sshll.u32 @!p0 s15, $0x7;
	s23 =	sand.u32 @!p0 $0xFFFFF800, s23  }
0x2a: {  	s24 =	sand.u32 @!p0 $0x300, s24;
	s23 =	sor.u32 @!p0 s8, s23  }
0x2b: {  	s23 =	sor.u32 @!p0 s24, s23  }
0x2c: {  	s23 =	sshrl.u32 @!p0 s23, $0x8  }
0x2d: {  	s24 =	smulhi.u32 @!p0 $0x147AE15, s23  }
0x2e: {  	s25 =	smul.u32 @!p0 $0x12C00, s17  }
0x2f: {  	s24 =	smul.u32 @!p0 $0xC8, s24  }
0x30: {  	s26 =	sxor.u32 @!p0 $0xFFFFFFFF, s18;
	s27 =	smul.u32 @!p0 $0x1900, s16  }
0x31: {  	s25 =	sadd.s32 @!p0 s5, s25;
	s23 =	ssub.s32 @!p0 s23, s24;
	s24 =	sshll.u32 @!p0 s15, $0x4  }
0x32: {  	s26 =	sshll.u32 @!p0 s26, $0xE;
	s25 =	sadd.s32 @!p0 s27, s25;
	s24 =	sand.u32 @!p0 $0x10, s24  }
0x33: {  	s26 =	sand.u32 @!p0 $0x4000, s26;
	s23 =	sshll.u32 @!p0 s23, $0x5;
	s24 =	sadd.s32 @!p0 s24, s25  }
0x34: {  	s25 =	simm.s32 @!p0 $0x96000;
	s23 =	sadd.s32 @!p0 s23, s24;
	s24 =	simm.s32 @!p0 $0x100  }
0x35: {  	[tilespmem:s26], [sflag:$0x1] =	stream.strided.gather @!p0 [hbm4b:s23+s24], $0x4000, s25, s24, $0x38;
	[tilespmem:$0x10000] =	vst v63  }
0x36: {  	p0 =	seq.s32 s18, $0x0  }
0x37: {  	p1 =	sge.u32 @!p0 s18, s9  }
0x38: {  	p0 =	por p0, p1  }
.Ltmp2:
0x39: {  	_ = 	snop;
	(pc) =	sbr.rel @p0 .LBB1_7-.Ltmp2, $1  }
0x3a: {  	_ =	sdelay $0x3  }
0x3b: {  	_ =	swait.ge [sflag:s4], $0x4000;
	s23 =	sshll.u32 s18, $0xE  }
0x3c: {  	[sflag:s4] =	ssyncset.done $0x0;
	s24 =	sand.u32 $0x4000, s23  }
0x3d: {  	s25 =	simm.s32 $0x0;
	[sflag:s4] =	ssyncadd.s32 $0xFFFFC000;
	s23 =	sor.u32 $0x8000, s24  }
.LBB1_3:
0x3e: {  	s26 =	sshll.u32 s25, $0x8  }
0x3f: {  	s26 =	sand.u32 $0x3FFFFF00, s26  }
0x40: {  	s27 =	sshll.u32 s25, $0x7;
	s26 =	sadd.s32 s26, s24  }
0x41: {  	s27 =	sand.u32 $0x3FFFFF80, s27;
	v0 =	vmov s26  }
0x42: {  	s27 =	sadd.s32 s27, s23  }
0x43: {  	p0 =	por $0x1, $0x1;
	v1 =	vmov s27;
	s26 =	simm.s32 $0x0  }
.LBB1_4:
0x44: {  	s27 =	sshll.u32 s26, $0x7  }
0x45: {  	s27 =	sand.u32 $0x3FFFFF80, s27  }
0x46: {  	v2 =	vld.idx.msk [tilespmem:v0+s27+$0x0 ss:$0x1], $0xffff  }
0x47: {  	v3 =	vld.idx.msk [tilespmem:v0+s27+$0x10 ss:$0x1], $0xffff  }
0x48: {  	v4 =	vld.idx.msk [tilespmem:v0+s27+$0x20 ss:$0x1], $0xffff  }
0x49: {  	s31 =	sshll.u32 s26, $0xD;
	v5 =	vld.idx.msk [tilespmem:v0+s27+$0x30 ss:$0x1], $0xffff  }
0x4a: {  	s26 =	sand.u32 $0x3FFFE000, s31;
	v6 =	vld.idx.msk [tilespmem:v0+s27+$0x40 ss:$0x1], $0xffff  }
0x4b: {  	v63 =	vld.idx.msk [tilespmem:v0+s27+$0x70 ss:$0x1], $0xffff;
	[tilespmem:v1+s26+$0x0 ss:$0x1] =	vst.idx.msk $0xffff, v2  }
0x4c: {  	v2 =	vld.idx.msk [tilespmem:v0+s27+$0x50 ss:$0x1], $0xffff;
	[tilespmem:v1+s26+$0x10 ss:$0x1] =	vst.idx.msk $0xffff, v3  }
0x4d: {  	p1 =	por p0, p0;
	v3 =	vld.idx.msk [tilespmem:v0+s27+$0x60 ss:$0x1], $0xffff;
	[tilespmem:v1+s26+$0x20 ss:$0x1] =	vst.idx.msk $0xffff, v4  }
.Ltmp3:
0x4e: {  	[tilespmem:v1+s26+$0x30 ss:$0x1] =	vst.idx.msk $0xffff, v5;
	(pc) =	sbr.rel @p1 .LBB1_4-.Ltmp3, $4  }
0x4f: {  	[tilespmem:v1+s26+$0x40 ss:$0x1] =	vst.idx.msk $0xffff, v6  }
0x50: {  	[tilespmem:v1+s26+$0x70 ss:$0x1] =	vst.idx.msk $0xffff, v63  }
0x51: {  	[tilespmem:v1+s26+$0x50 ss:$0x1] =	vst.idx.msk $0xffff, v2  }
0x52: {  	p0 =	por $0x0, $0x0;
	[tilespmem:v1+s26+$0x60 ss:$0x1] =	vst.idx.msk $0xffff, v3;
	s26 =	simm.s32 $0x1  }
0x53: {  	s25 =	sadd.s32 $0x1, s25  }
0x54: {  	p0 =	sne.s32 s25, $0x40  }
.Ltmp4:
0x55: {  	_ = 	snop;
	(pc) =	sbr.rel @p0 .LBB1_3-.Ltmp4, $1  }
0x56: {  	_ =	sdelay $0x3  }
0x57: {  	p0 =	sgt.s32 s13, $0xB  }
0x58: {  	s24 =	smov.u32 s13;
	s25 =	sshra.s32 s13, $0x1F;
	s26 =	sshll.u32 s14, $0x8  }
0x59: {  	s22 =	sshll.u32 s22, $0x3;
	p1 =	sgt.s32 s12, $0xC3;
	s28 =	sshra.s32 s12, $0x1F  }
0x5a: {  	s24 =	simm.s32 @!p0 $0xB;
	s25 =	sand.u32 s25, s13;
	s26 =	sand.u32 $0x3800, s26  }
0x5b: {  	s31 =	sshll.u32 s14, $0x7;
	s24 =	ssub.s32 s24, s25;
	s22 =	sor.u32 s26, s22  }
0x5c: {  	s25 =	smov.u32 s12;
	s26 =	sand.u32 s28, s12;
	s28 =	sand.u32 $0x300, s31  }
0x5d: {  	s31 =	sshll.u32 s14, $0x4;
	s27 =	sadd.s32 $0xFFFFFFF5, s24;
	s25 =	simm.s32 @!p1 $0xC3  }
0x5e: {  	s24 =	ssub.s32 $0xC, s24;
	p0 =	sgt.s32 s27, $0x0;
	s27 =	ssub.s32 $0x0, s14  }
0x5f: {  	s22 =	sor.u32 s28, s22;
	s25 =	ssub.s32 s25, s26;
	s27 =	smin.u32 s14, s27  }
0x60: {  	s22 =	sshrl.u32 s22, $0x3;
	s30 =	sadd.s32 $0xFFFFFF3D, s25;
	s29 =	sshll.u32 s27, $0x7  }
0x61: {  	s24 =	simm.s32 @p0 $0x0;
	p1 =	sgt.s32 s27, $0x3F;
	s26 =	ssub.s32 $0x2000, s29  }
0x62: {  	s25 =	ssub.s32 $0xC5, s25;
	s29 =	smul.u32 $0x62800, s13;
	s26 =	simm.s32 @p1 $0x0  }
0x63: {  	p0 =	sgt.s32 s30, $0x1;
	s30 =	sshll.u32 s12, $0xB;
	s24 =	smul.u32 s24, s26  }
.Ltmp5:
0x64: {  	s25 =	simm.s32 @p0 $0x0;
	s27 =	sadd.s32 s2, s29;
	(pc) =	sbr.rel .LBB1_7-.Ltmp5, $4  }
0x65: {  	s26 =	sand.u32 $0x10, s31;
	s24 =	smul.u32 s25, s24;
	s25 =	sadd.s32 s30, s27  }
0x66: {  	s22 =	sand.u32 $0x7E0, s22;
	s25 =	sadd.s32 s26, s25  }
0x67: {  	s24 =	sand.u32 $0x3FFFFF80, s24;
	s22 =	sadd.s32 s22, s25  }
0x68: {  	[hbm4b:s22+s10] =	stream.strided.scatter [tilespmem:s23], [sflag:$0x2], s24, s11, s10, $0x38;
	[tilespmem:$0x10000] =	vst v63  }
.LBB1_8:
0x69: {  	_ =	sfence.sel $0x180000  }
0x6a: {  	s2 =	simm.s32 $0x1;
	[bflag:$0x0] =	sbarrier.arrive $0xFFFF  }
0x6b: {  	s31 =	simm.s32 $0x2;
	[sflag:s2] =	ssyncpa.u1 $0x1  }
0x6c: {  	[sflag:s31] =	ssyncpa.u1 $0x1  }
0x6d: {  	p0 =	sne.s32 s1, $0x0;
	_ =	strace $0x9000004A  }
0x6e: {  	s0 =	sadd.s32 @!p0 $0x100000, s0;
	[bflag:$0x2] =	sbarrier.arrive $0xFFFF  }
0x6f: {  	[sflag:s0] =	ssyncadd.tile.s32 @!p0 $0x1;
	_ =	shalt  }
.Lfunc_end1:
_tile_overlayer_lowered:
.L_overlay_start_2:
0x70: {  	(tag) =	ssettag $0x2  }
0x71: {  	s0 =	rddreg [dreg:$0x0];
	s2 =	stileid.u32  }
0x72: {  	s1 =	rddreg [dreg:$0x1];
	p0 =	sne.s32 s2, $0x0  }
0x73: {  	s3 =	rddreg [dreg:$0x2];
	[bflag:$0x3] =	sbarrier.arrive $0xFFFF;
	s2 =	simm.s32 @!p0 $0x1C01  }
0x74: {  	[timem:s3], [sflag:s2] =	dma.local @!p0 [hbm:s0], s1  }
0x75: {  	s0 =	simm.s32 @!p0 $0x1  }
0x76: {  	_ =	swait.ge @!p0 [sflag:s0], s1  }
0x77: {  	s1 =	ssub.s32 @!p0 $0x0, s1;
	[sflag:s0] =	ssyncset.done @!p0 $0x0  }
0x78: {  	[sflag:s0] =	ssyncadd.s32 @!p0 s1  }
0x79: {  	[bflag:$0x3] =	sbarrier.arrive $0xFFFF  }
0x7a: {  	_ =	shalt  }

</sc_bundles>
